<compile_context>
chip_gen: v7x
topology: tpu7x:2x2x1
jax: 0.10.2.dev20260603
libtpu: 0.0.44.dev20260713+nightly
codegen_flags: <defaults>
</compile_context>

<pallas_src>
import functools

import jax
import jax.numpy as jnp
from jax import lax
from jax.experimental import pallas as pl
from jax.experimental.pallas import tpu as pltpu
from jax.experimental.pallas import tpu_sc as plsc

_LANES = 16
_STRIDE = 256


@functools.cache
def _make_sc_scatter(B, N):
    info = plsc.get_sparse_core_info()
    NC, NS = info.num_cores, info.num_subcores
    NW = NC * NS
    assert B % NW == 0 and N % 8 == 0 and N < _STRIDE
    RPW = B // NW
    OUTW = RPW * _STRIDE
    offs = list(range(0, N - _LANES, _LANES)) + [N - _LANES]
    mesh = plsc.VectorSubcoreMesh(core_axis_name="c", subcore_axis_name="s")

    HR = RPW // 2
    HOUT = HR * _STRIDE

    @functools.partial(
        pl.kernel,
        out_type=jax.ShapeDtypeStruct((B * _STRIDE,), jnp.float32),
        mesh=mesh,
        compiler_params=pltpu.CompilerParams(needs_layout_passes=False,
                                             use_tc_tiling_on_sc=True),
        scratch_types=[
            pltpu.VMEM((RPW, N), jnp.float32),
            pltpu.VMEM((RPW, N), jnp.int32),
            pltpu.VMEM((OUTW,), jnp.float32),
            pltpu.SemaphoreType.DMA,
            pltpu.SemaphoreType.DMA,
            pltpu.SemaphoreType.DMA,
        ],
    )
    def sc_scatter(scores_hbm, order_hbm, out_hbm, sc_v, od_v, out_v,
                   sem_a, sem_b, sem_o):
        wid = lax.axis_index("s") * NC + lax.axis_index("c")
        base = wid * RPW
        ca1 = pltpu.async_copy(scores_hbm.at[pl.ds(base, HR)],
                               sc_v.at[pl.ds(0, HR)], sem_a)
        ca2 = pltpu.async_copy(order_hbm.at[pl.ds(base, HR)],
                               od_v.at[pl.ds(0, HR)], sem_a)
        cb1 = pltpu.async_copy(scores_hbm.at[pl.ds(base + HR, HR)],
                               sc_v.at[pl.ds(HR, HR)], sem_b)
        cb2 = pltpu.async_copy(order_hbm.at[pl.ds(base + HR, HR)],
                               od_v.at[pl.ds(HR, HR)], sem_b)

        def row_body(r, carry):
            out_off = r * _STRIDE
            for co in offs:
                s = sc_v[r, pl.ds(co, _LANES)]
                o = od_v[r, pl.ds(co, _LANES)]
                plsc.store_scatter(out_v, [o - 1 + out_off], s)
            return carry

        ca1.wait()
        ca2.wait()
        lax.fori_loop(0, HR, row_body, 0)
        co1 = pltpu.async_copy(out_v.at[pl.ds(0, HOUT)],
                               out_hbm.at[pl.ds(wid * OUTW, HOUT)], sem_o)
        cb1.wait()
        cb2.wait()
        lax.fori_loop(HR, RPW, row_body, 0)
        co1.wait()
        pltpu.sync_copy(out_v.at[pl.ds(HOUT, HOUT)],
                        out_hbm.at[pl.ds(wid * OUTW + HOUT, HOUT)])

    return sc_scatter


@functools.cache
def _make_tc_loss(B, N):
    VR = 2 * B
    TAIL = N - 128
    BLK = VR
    G = VR // BLK

    def body(a_ref, out_ref):
        neg = jnp.full((1, 1), -jnp.inf, jnp.float32)
        zero = jnp.zeros((1, 1), jnp.float32)
        even = lax.broadcasted_iota(jnp.int32, (BLK, 1), 0) % 2 == 0
        lane = lax.broadcasted_iota(jnp.int32, (BLK, 128), 1)
        valid = even | (lane < TAIL)
        a = jnp.where(valid, a_ref[...], -jnp.inf)
        mrow = jnp.max(a, axis=1, keepdims=True)
        up = jnp.concatenate([mrow[1:], neg], axis=0)
        down = jnp.concatenate([neg, mrow[:-1]], axis=0)
        m = jnp.maximum(mrow, jnp.where(even, up, down))
        e = jnp.exp(a - m)
        kk = lax.broadcasted_iota(jnp.int32, (128, 128), 0)
        jj = lax.broadcasted_iota(jnp.int32, (128, 128), 1)
        tri = (kk >= jj).astype(jnp.float32)
        s = lax.dot_general(e, tri, (((1,), (0,)), ((), ())),
                            precision=lax.Precision.HIGHEST,
                            preferred_element_type=jnp.float32)
        tot_next = jnp.concatenate([s[1:, 0:1], zero], axis=0)
        s = s + jnp.where(even, tot_next, 0.0)
        lse_sum = jnp.sum(jnp.where(valid, jnp.log(s) + m, 0.0))
        score_sum = jnp.sum(jnp.where(valid, a, 0.0))
        part = (lse_sum - score_sum) / (B * N)

        @pl.when(pl.program_id(0) == 0)
        def _():
            out_ref[...] = jnp.zeros((1, 1), jnp.float32)

        out_ref[...] += part[None, None]

    return pl.pallas_call(
        body,
        grid=(G,),
        in_specs=[pl.BlockSpec((BLK, 128), lambda i: (i, 0))],
        out_specs=pl.BlockSpec((1, 1), lambda i: (0, 0)),
        out_shape=jax.ShapeDtypeStruct((1, 1), jnp.float32),
    )


def kernel(scores, order):
    B, N = scores.shape
    sorted_flat = _make_sc_scatter(B, N)(scores, order.astype(jnp.int32))
    loss = _make_tc_loss(B, N)(sorted_flat.reshape(2 * B, 128))
    return loss[0, 0]

# --- scband reference (transcript-rebuilt; emitter-appended) ---
"""Pipeline reference for scband-exploded-logit-loss-16887811408140 (READ-ONLY COPY).

The authoritative reference and input builder live on the scoring server;
editing this copy changes nothing except your own understanding.
"""

import jax, jax.numpy as jnp
import numpy as np

B, N = 1024, 200

def setup_inputs(seed: int = 0) -> dict:
    key = jax.random.key(seed)
    k1, k2 = jax.random.split(key)
    scores = jax.random.normal(k1, (B, N), dtype=jnp.float32)
    # order must be a per-row permutation of 1..N (1-based ranks) so that every
    # 'round' column of the exploded logit tensor has at least one unmasked item.
    keys = jax.random.split(k2, B)
    order = jax.vmap(lambda k: jax.random.permutation(k, N))(keys) + 1
    order = order.astype(jnp.int32)
    return {"scores": scores, "order": order}

def reference(scores, order):
    Bx, Nx = scores.shape
    # ExplodedLogitTransformation.forward: repeat scores along a new 'round' dim
    out = jnp.broadcast_to(scores[:, :, None], (Bx, Nx, Nx))
    # inverse_mask: item i is -inf for all rounds j >= order[i]
    fold = Bx * Nx
    mask = jnp.zeros((fold, Nx + 1), dtype=scores.dtype)
    mask = mask.at[jnp.arange(fold), order.reshape(-1)].set(-jnp.inf)
    mask = jnp.cumsum(mask, axis=-1)[:, :-1].reshape(Bx, Nx, Nx)
    matrix_of_rounds = out + mask  # [B, items, rounds]
    # nll branch: CrossEntropyLoss(input=[B, C=items, rounds], target=[B, rounds])
    target = jnp.argsort(order, axis=-1)  # item chosen at each round
    logp = jax.nn.log_softmax(matrix_of_rounds, axis=1)  # softmax over items
    picked = jnp.take_along_axis(logp, target[:, None, :], axis=1)[:, 0, :]  # [B, rounds]
    return -jnp.mean(picked)

if __name__ == "__main__":
    import jax
    _d = setup_inputs()
    print(jax.jit(kernel)(*tuple(_d.values())))

</pallas_src>

<mosaic_0001>
#map = affine_map<(d0, d1) -> (0, 0)>
#map1 = affine_map<(d0, d1) -> (0)>
module attributes {stable_mosaic.version = 14 : i64} {
  func.func @sc_scatter(%arg0: i32, %arg1: i32, %arg2: memref<1024x200xf32, #tpu.memory_space<hbm>>, %arg3: memref<1024x200xi32, #tpu.memory_space<hbm>>, %arg4: memref<262144xf32, #tpu.memory_space<hbm>>, %arg5: memref<32x200xf32, #tpu.memory_space<vmem>>, %arg6: memref<32x200xi32, #tpu.memory_space<vmem>>, %arg7: memref<8192xf32, #tpu.memory_space<vmem>>, %arg8: memref<!tpu.dma_semaphore, #tpu.memory_space<semaphore_mem>>, %arg9: memref<!tpu.dma_semaphore, #tpu.memory_space<semaphore_mem>>, %arg10: memref<!tpu.dma_semaphore, #tpu.memory_space<semaphore_mem>>) attributes {dimension_semantics = [#tpu.dimension_semantics<core_parallel>, #tpu.dimension_semantics<subcore_parallel>], iteration_bounds = array<i64: 2, 16>, scalar_prefetch = 0 : i64, scratch_operands = 6 : i64, tpu.core_type = #tpu.core_type<sc_vector_subcore>, window_params = [{transform_indices = #map}, {transform_indices = #map}, {transform_indices = #map1}]} {
    %mul3A = arith.constant 2 : i32
    %mul3A_0 = arith.muli %arg1, %mul3A : i32
    %add3A = arith.addi %mul3A_0, %arg0 : i32
    %mul3A_1 = arith.constant 32 : i32
    %mul3A_2 = arith.muli %add3A, %mul3A_1 : i32
    %dma_start3A = arith.constant 0 : i32
    %dma_start3A_3 = arith.constant 0 : i32
    %dma_start3A_4 = tpu.memref_slice %arg5[%dma_start3A, %dma_start3A_3] : memref<32x200xf32, #tpu.memory_space<vmem>> -> memref<16x200xf32, #tpu.memory_space<vmem>>
    %dma_start3A_5 = arith.constant 0 : i32
    %dma_start3A_6 = tpu.memref_slice %arg2[%mul3A_2, %dma_start3A_5] : memref<1024x200xf32, #tpu.memory_space<hbm>> -> memref<16x200xf32, #tpu.memory_space<hbm>>
    %dma_start3A_7 = arith.constant 0 : i32
    %dma_start3A_8 = arith.constant 0 : i32
    %dma_start3A_9 = tpu.memref_slice %arg5[%dma_start3A_7, %dma_start3A_8] : memref<32x200xf32, #tpu.memory_space<vmem>> -> memref<16x200xf32, #tpu.memory_space<vmem>>
    %dma_start3A_10 = arith.constant 0 : i32
    %dma_start3A_11 = tpu.memref_slice %arg2[%mul3A_2, %dma_start3A_10] : memref<1024x200xf32, #tpu.memory_space<hbm>> -> memref<16x200xf32, #tpu.memory_space<hbm>>
    tpu.enqueue_dma source(%dma_start3A_11 : memref<16x200xf32, #tpu.memory_space<hbm>>) target(%dma_start3A_9 : memref<16x200xf32, #tpu.memory_space<vmem>>) target_semaphore(%arg8 : memref<!tpu.dma_semaphore, #tpu.memory_space<semaphore_mem>>)
    %dma_start3A_12 = arith.constant 0 : i32
    %dma_start3A_13 = arith.constant 0 : i32
    %dma_start3A_14 = tpu.memref_slice %arg6[%dma_start3A_12, %dma_start3A_13] : memref<32x200xi32, #tpu.memory_space<vmem>> -> memref<16x200xi32, #tpu.memory_space<vmem>>
    %dma_start3A_15 = arith.constant 0 : i32
    %dma_start3A_16 = tpu.memref_slice %arg3[%mul3A_2, %dma_start3A_15] : memref<1024x200xi32, #tpu.memory_space<hbm>> -> memref<16x200xi32, #tpu.memory_space<hbm>>
    %dma_start3A_17 = arith.constant 0 : i32
    %dma_start3A_18 = arith.constant 0 : i32
    %dma_start3A_19 = tpu.memref_slice %arg6[%dma_start3A_17, %dma_start3A_18] : memref<32x200xi32, #tpu.memory_space<vmem>> -> memref<16x200xi32, #tpu.memory_space<vmem>>
    %dma_start3A_20 = arith.constant 0 : i32
    %dma_start3A_21 = tpu.memref_slice %arg3[%mul3A_2, %dma_start3A_20] : memref<1024x200xi32, #tpu.memory_space<hbm>> -> memref<16x200xi32, #tpu.memory_space<hbm>>
    tpu.enqueue_dma source(%dma_start3A_21 : memref<16x200xi32, #tpu.memory_space<hbm>>) target(%dma_start3A_19 : memref<16x200xi32, #tpu.memory_space<vmem>>) target_semaphore(%arg8 : memref<!tpu.dma_semaphore, #tpu.memory_space<semaphore_mem>>)
    %add3A_22 = arith.constant 16 : i32
    %add3A_23 = arith.addi %mul3A_2, %add3A_22 : i32
    %dma_start3A_24 = arith.constant 16 : i32
    %dma_start3A_25 = arith.constant 0 : i32
    %dma_start3A_26 = tpu.memref_slice %arg5[%dma_start3A_24, %dma_start3A_25] : memref<32x200xf32, #tpu.memory_space<vmem>> -> memref<16x200xf32, #tpu.memory_space<vmem>>
    %dma_start3A_27 = arith.constant 0 : i32
    %dma_start3A_28 = tpu.memref_slice %arg2[%add3A_23, %dma_start3A_27] : memref<1024x200xf32, #tpu.memory_space<hbm>> -> memref<16x200xf32, #tpu.memory_space<hbm>>
    %dma_start3A_29 = arith.constant 16 : i32
    %dma_start3A_30 = arith.constant 0 : i32
    %dma_start3A_31 = tpu.memref_slice %arg5[%dma_start3A_29, %dma_start3A_30] : memref<32x200xf32, #tpu.memory_space<vmem>> -> memref<16x200xf32, #tpu.memory_space<vmem>>
    %dma_start3A_32 = arith.constant 0 : i32
    %dma_start3A_33 = tpu.memref_slice %arg2[%add3A_23, %dma_start3A_32] : memref<1024x200xf32, #tpu.memory_space<hbm>> -> memref<16x200xf32, #tpu.memory_space<hbm>>
    tpu.enqueue_dma source(%dma_start3A_33 : memref<16x200xf32, #tpu.memory_space<hbm>>) target(%dma_start3A_31 : memref<16x200xf32, #tpu.memory_space<vmem>>) target_semaphore(%arg9 : memref<!tpu.dma_semaphore, #tpu.memory_space<semaphore_mem>>)
    %add3A_34 = arith.constant 16 : i32
    %add3A_35 = arith.addi %mul3A_2, %add3A_34 : i32
    %dma_start3A_36 = arith.constant 16 : i32
    %dma_start3A_37 = arith.constant 0 : i32
    %dma_start3A_38 = tpu.memref_slice %arg6[%dma_start3A_36, %dma_start3A_37] : memref<32x200xi32, #tpu.memory_space<vmem>> -> memref<16x200xi32, #tpu.memory_space<vmem>>
    %dma_start3A_39 = arith.constant 0 : i32
    %dma_start3A_40 = tpu.memref_slice %arg3[%add3A_35, %dma_start3A_39] : memref<1024x200xi32, #tpu.memory_space<hbm>> -> memref<16x200xi32, #tpu.memory_space<hbm>>
    %dma_start3A_41 = arith.constant 16 : i32
    %dma_start3A_42 = arith.constant 0 : i32
    %dma_start3A_43 = tpu.memref_slice %arg6[%dma_start3A_41, %dma_start3A_42] : memref<32x200xi32, #tpu.memory_space<vmem>> -> memref<16x200xi32, #tpu.memory_space<vmem>>
    %dma_start3A_44 = arith.constant 0 : i32
    %dma_start3A_45 = tpu.memref_slice %arg3[%add3A_35, %dma_start3A_44] : memref<1024x200xi32, #tpu.memory_space<hbm>> -> memref<16x200xi32, #tpu.memory_space<hbm>>
    tpu.enqueue_dma source(%dma_start3A_45 : memref<16x200xi32, #tpu.memory_space<hbm>>) target(%dma_start3A_43 : memref<16x200xi32, #tpu.memory_space<vmem>>) target_semaphore(%arg9 : memref<!tpu.dma_semaphore, #tpu.memory_space<semaphore_mem>>)
    %dma_wait3A = arith.constant 0 : i32
    %dma_wait3A_46 = arith.constant 0 : i32
    %dma_wait3A_47 = tpu.memref_slice %arg5[%dma_wait3A, %dma_wait3A_46] : memref<32x200xf32, #tpu.memory_space<vmem>> -> memref<16x200xf32, #tpu.memory_space<vmem>>
    %dma_wait3A_48 = arith.constant 0 : i32
    %dma_wait3A_49 = tpu.memref_slice %arg2[%mul3A_2, %dma_wait3A_48] : memref<1024x200xf32, #tpu.memory_space<hbm>> -> memref<16x200xf32, #tpu.memory_space<hbm>>
    %dma_wait3A_50 = arith.constant 0 : i32
    %dma_wait3A_51 = arith.constant 0 : i32
    %dma_wait3A_52 = tpu.memref_slice %arg5[%dma_wait3A_50, %dma_wait3A_51] : memref<32x200xf32, #tpu.memory_space<vmem>> -> memref<16x200xf32, #tpu.memory_space<vmem>>
    %dma_wait3A_53 = arith.constant 0 : i32
    %dma_wait3A_54 = tpu.memref_slice %arg2[%mul3A_2, %dma_wait3A_53] : memref<1024x200xf32, #tpu.memory_space<hbm>> -> memref<16x200xf32, #tpu.memory_space<hbm>>
    tpu.wait_dma2 semaphore(%arg8 : memref<!tpu.dma_semaphore, #tpu.memory_space<semaphore_mem>>) src(%dma_wait3A_54 : memref<16x200xf32, #tpu.memory_space<hbm>>) dst(%dma_wait3A_52 : memref<16x200xf32, #tpu.memory_space<vmem>>)
    %dma_wait3A_55 = arith.constant 0 : i32
    %dma_wait3A_56 = arith.constant 0 : i32
    %dma_wait3A_57 = tpu.memref_slice %arg6[%dma_wait3A_55, %dma_wait3A_56] : memref<32x200xi32, #tpu.memory_space<vmem>> -> memref<16x200xi32, #tpu.memory_space<vmem>>
    %dma_wait3A_58 = arith.constant 0 : i32
    %dma_wait3A_59 = tpu.memref_slice %arg3[%mul3A_2, %dma_wait3A_58] : memref<1024x200xi32, #tpu.memory_space<hbm>> -> memref<16x200xi32, #tpu.memory_space<hbm>>
    %dma_wait3A_60 = arith.constant 0 : i32
    %dma_wait3A_61 = arith.constant 0 : i32
    %dma_wait3A_62 = tpu.memref_slice %arg6[%dma_wait3A_60, %dma_wait3A_61] : memref<32x200xi32, #tpu.memory_space<vmem>> -> memref<16x200xi32, #tpu.memory_space<vmem>>
    %dma_wait3A_63 = arith.constant 0 : i32
    %dma_wait3A_64 = tpu.memref_slice %arg3[%mul3A_2, %dma_wait3A_63] : memref<1024x200xi32, #tpu.memory_space<hbm>> -> memref<16x200xi32, #tpu.memory_space<hbm>>
    tpu.wait_dma2 semaphore(%arg8 : memref<!tpu.dma_semaphore, #tpu.memory_space<semaphore_mem>>) src(%dma_wait3A_64 : memref<16x200xi32, #tpu.memory_space<hbm>>) dst(%dma_wait3A_62 : memref<16x200xi32, #tpu.memory_space<vmem>>)
    %scan3A = arith.constant 0 : i32
    %scan3A_65 = arith.constant 0 : i32
    %scan3A_66 = arith.constant 16 : i32
    %scan3A_67 = arith.addi %scan3A_65, %scan3A_66 : i32
    %scan3A_68 = arith.constant 1 : i32
    scf.for %scan3A_114 = %scan3A_65 to %scan3A_67 step %scan3A_68  : i32 {
      %mul3A_115 = arith.constant 256 : i32
      %mul3A_116 = arith.muli %scan3A_114, %mul3A_115 : i32
      %get3A = arith.index_cast %scan3A_114 : i32 to index
      %get3A_117 = arith.constant 0 : index
      %get3A_118 = tpu.vector_load %arg5[%get3A, %get3A_117] {strides = array<i32>} : memref<32x200xf32, #tpu.memory_space<vmem>>, vector<16xf32>,
      %get3A_119 = arith.index_cast %scan3A_114 : i32 to index
      %get3A_120 = arith.constant 0 : index
      %get3A_121 = tpu.vector_load %arg6[%get3A_119, %get3A_120] {strides = array<i32>} : memref<32x200xi32, #tpu.memory_space<vmem>>, vector<16xi32>,
      %sub3A = arith.constant 1 : i32
      %sub3A_122 = vector.broadcast %sub3A : i32 to vector<16xi32>
      %sub3A_123 = arith.subi %get3A_121, %sub3A_122 : vector<16xi32>
      %add3A_124 = vector.broadcast %mul3A_116 : i32 to vector<16xi32>
      %add3A_125 = arith.addi %sub3A_123, %add3A_124 : vector<16xi32>
      tpu.vector_store_idx %arg7[%add3A_125], %get3A_118 : memref<8192xf32, #tpu.memory_space<vmem>>[vector<16xi32>], vector<16xf32>,
      %get3A_126 = arith.index_cast %scan3A_114 : i32 to index
      %get3A_127 = arith.constant 16 : index
      %get3A_128 = tpu.vector_load %arg5[%get3A_126, %get3A_127] {strides = array<i32>} : memref<32x200xf32, #tpu.memory_space<vmem>>, vector<16xf32>,
      %get3A_129 = arith.index_cast %scan3A_114 : i32 to index
      %get3A_130 = arith.constant 16 : index
      %get3A_131 = tpu.vector_load %arg6[%get3A_129, %get3A_130] {strides = array<i32>} : memref<32x200xi32, #tpu.memory_space<vmem>>, vector<16xi32>,
      %sub3A_132 = arith.constant 1 : i32
      %sub3A_133 = vector.broadcast %sub3A_132 : i32 to vector<16xi32>
      %sub3A_134 = arith.subi %get3A_131, %sub3A_133 : vector<16xi32>
      %add3A_135 = vector.broadcast %mul3A_116 : i32 to vector<16xi32>
      %add3A_136 = arith.addi %sub3A_134, %add3A_135 : vector<16xi32>
      tpu.vector_store_idx %arg7[%add3A_136], %get3A_128 : memref<8192xf32, #tpu.memory_space<vmem>>[vector<16xi32>], vector<16xf32>,
      %get3A_137 = arith.index_cast %scan3A_114 : i32 to index
      %get3A_138 = arith.constant 32 : index
      %get3A_139 = tpu.vector_load %arg5[%get3A_137, %get3A_138] {strides = array<i32>} : memref<32x200xf32, #tpu.memory_space<vmem>>, vector<16xf32>,
      %get3A_140 = arith.index_cast %scan3A_114 : i32 to index
      %get3A_141 = arith.constant 32 : index
      %get3A_142 = tpu.vector_load %arg6[%get3A_140, %get3A_141] {strides = array<i32>} : memref<32x200xi32, #tpu.memory_space<vmem>>, vector<16xi32>,
      %sub3A_143 = arith.constant 1 : i32
      %sub3A_144 = vector.broadcast %sub3A_143 : i32 to vector<16xi32>
      %sub3A_145 = arith.subi %get3A_142, %sub3A_144 : vector<16xi32>
      %add3A_146 = vector.broadcast %mul3A_116 : i32 to vector<16xi32>
      %add3A_147 = arith.addi %sub3A_145, %add3A_146 : vector<16xi32>
      tpu.vector_store_idx %arg7[%add3A_147], %get3A_139 : memref<8192xf32, #tpu.memory_space<vmem>>[vector<16xi32>], vector<16xf32>,
      %get3A_148 = arith.index_cast %scan3A_114 : i32 to index
      %get3A_149 = arith.constant 48 : index
      %get3A_150 = tpu.vector_load %arg5[%get3A_148, %get3A_149] {strides = array<i32>} : memref<32x200xf32, #tpu.memory_space<vmem>>, vector<16xf32>,
      %get3A_151 = arith.index_cast %scan3A_114 : i32 to index
      %get3A_152 = arith.constant 48 : index
      %get3A_153 = tpu.vector_load %arg6[%get3A_151, %get3A_152] {strides = array<i32>} : memref<32x200xi32, #tpu.memory_space<vmem>>, vector<16xi32>,
      %sub3A_154 = arith.constant 1 : i32
      %sub3A_155 = vector.broadcast %sub3A_154 : i32 to vector<16xi32>
      %sub3A_156 = arith.subi %get3A_153, %sub3A_155 : vector<16xi32>
      %add3A_157 = vector.broadcast %mul3A_116 : i32 to vector<16xi32>
      %add3A_158 = arith.addi %sub3A_156, %add3A_157 : vector<16xi32>
      tpu.vector_store_idx %arg7[%add3A_158], %get3A_150 : memref<8192xf32, #tpu.memory_space<vmem>>[vector<16xi32>], vector<16xf32>,
      %get3A_159 = arith.index_cast %scan3A_114 : i32 to index
      %get3A_160 = arith.constant 64 : index
      %get3A_161 = tpu.vector_load %arg5[%get3A_159, %get3A_160] {strides = array<i32>} : memref<32x200xf32, #tpu.memory_space<vmem>>, vector<16xf32>,
      %get3A_162 = arith.index_cast %scan3A_114 : i32 to index
      %get3A_163 = arith.constant 64 : index
      %get3A_164 = tpu.vector_load %arg6[%get3A_162, %get3A_163] {strides = array<i32>} : memref<32x200xi32, #tpu.memory_space<vmem>>, vector<16xi32>,
      %sub3A_165 = arith.constant 1 : i32
      %sub3A_166 = vector.broadcast %sub3A_165 : i32 to vector<16xi32>
      %sub3A_167 = arith.subi %get3A_164, %sub3A_166 : vector<16xi32>
      %add3A_168 = vector.broadcast %mul3A_116 : i32 to vector<16xi32>
      %add3A_169 = arith.addi %sub3A_167, %add3A_168 : vector<16xi32>
      tpu.vector_store_idx %arg7[%add3A_169], %get3A_161 : memref<8192xf32, #tpu.memory_space<vmem>>[vector<16xi32>], vector<16xf32>,
      %get3A_170 = arith.index_cast %scan3A_114 : i32 to index
      %get3A_171 = arith.constant 80 : index
      %get3A_172 = tpu.vector_load %arg5[%get3A_170, %get3A_171] {strides = array<i32>} : memref<32x200xf32, #tpu.memory_space<vmem>>, vector<16xf32>,
      %get3A_173 = arith.index_cast %scan3A_114 : i32 to index
      %get3A_174 = arith.constant 80 : index
      %get3A_175 = tpu.vector_load %arg6[%get3A_173, %get3A_174] {strides = array<i32>} : memref<32x200xi32, #tpu.memory_space<vmem>>, vector<16xi32>,
      %sub3A_176 = arith.constant 1 : i32
      %sub3A_177 = vector.broadcast %sub3A_176 : i32 to vector<16xi32>
      %sub3A_178 = arith.subi %get3A_175, %sub3A_177 : vector<16xi32>
      %add3A_179 = vector.broadcast %mul3A_116 : i32 to vector<16xi32>
      %add3A_180 = arith.addi %sub3A_178, %add3A_179 : vector<16xi32>
      tpu.vector_store_idx %arg7[%add3A_180], %get3A_172 : memref<8192xf32, #tpu.memory_space<vmem>>[vector<16xi32>], vector<16xf32>,
      %get3A_181 = arith.index_cast %scan3A_114 : i32 to index
      %get3A_182 = arith.constant 96 : index
      %get3A_183 = tpu.vector_load %arg5[%get3A_181, %get3A_182] {strides = array<i32>} : memref<32x200xf32, #tpu.memory_space<vmem>>, vector<16xf32>,
      %get3A_184 = arith.index_cast %scan3A_114 : i32 to index
      %get3A_185 = arith.constant 96 : index
      %get3A_186 = tpu.vector_load %arg6[%get3A_184, %get3A_185] {strides = array<i32>} : memref<32x200xi32, #tpu.memory_space<vmem>>, vector<16xi32>,
      %sub3A_187 = arith.constant 1 : i32
      %sub3A_188 = vector.broadcast %sub3A_187 : i32 to vector<16xi32>
      %sub3A_189 = arith.subi %get3A_186, %sub3A_188 : vector<16xi32>
      %add3A_190 = vector.broadcast %mul3A_116 : i32 to vector<16xi32>
      %add3A_191 = arith.addi %sub3A_189, %add3A_190 : vector<16xi32>
      tpu.vector_store_idx %arg7[%add3A_191], %get3A_183 : memref<8192xf32, #tpu.memory_space<vmem>>[vector<16xi32>], vector<16xf32>,
      %get3A_192 = arith.index_cast %scan3A_114 : i32 to index
      %get3A_193 = arith.constant 112 : index
      %get3A_194 = tpu.vector_load %arg5[%get3A_192, %get3A_193] {strides = array<i32>} : memref<32x200xf32, #tpu.memory_space<vmem>>, vector<16xf32>,
      %get3A_195 = arith.index_cast %scan3A_114 : i32 to index
      %get3A_196 = arith.constant 112 : index
      %get3A_197 = tpu.vector_load %arg6[%get3A_195, %get3A_196] {strides = array<i32>} : memref<32x200xi32, #tpu.memory_space<vmem>>, vector<16xi32>,
      %sub3A_198 = arith.constant 1 : i32
      %sub3A_199 = vector.broadcast %sub3A_198 : i32 to vector<16xi32>
      %sub3A_200 = arith.subi %get3A_197, %sub3A_199 : vector<16xi32>
      %add3A_201 = vector.broadcast %mul3A_116 : i32 to vector<16xi32>
      %add3A_202 = arith.addi %sub3A_200, %add3A_201 : vector<16xi32>
      tpu.vector_store_idx %arg7[%add3A_202], %get3A_194 : memref<8192xf32, #tpu.memory_space<vmem>>[vector<16xi32>], vector<16xf32>,
      %get3A_203 = arith.index_cast %scan3A_114 : i32 to index
      %get3A_204 = arith.constant 128 : index
      %get3A_205 = tpu.vector_load %arg5[%get3A_203, %get3A_204] {strides = array<i32>} : memref<32x200xf32, #tpu.memory_space<vmem>>, vector<16xf32>,
      %get3A_206 = arith.index_cast %scan3A_114 : i32 to index
      %get3A_207 = arith.constant 128 : index
      %get3A_208 = tpu.vector_load %arg6[%get3A_206, %get3A_207] {strides = array<i32>} : memref<32x200xi32, #tpu.memory_space<vmem>>, vector<16xi32>,
      %sub3A_209 = arith.constant 1 : i32
      %sub3A_210 = vector.broadcast %sub3A_209 : i32 to vector<16xi32>
      %sub3A_211 = arith.subi %get3A_208, %sub3A_210 : vector<16xi32>
      %add3A_212 = vector.broadcast %mul3A_116 : i32 to vector<16xi32>
      %add3A_213 = arith.addi %sub3A_211, %add3A_212 : vector<16xi32>
      tpu.vector_store_idx %arg7[%add3A_213], %get3A_205 : memref<8192xf32, #tpu.memory_space<vmem>>[vector<16xi32>], vector<16xf32>,
      %get3A_214 = arith.index_cast %scan3A_114 : i32 to index
      %get3A_215 = arith.constant 144 : index
      %get3A_216 = tpu.vector_load %arg5[%get3A_214, %get3A_215] {strides = array<i32>} : memref<32x200xf32, #tpu.memory_space<vmem>>, vector<16xf32>,
      %get3A_217 = arith.index_cast %scan3A_114 : i32 to index
      %get3A_218 = arith.constant 144 : index
      %get3A_219 = tpu.vector_load %arg6[%get3A_217, %get3A_218] {strides = array<i32>} : memref<32x200xi32, #tpu.memory_space<vmem>>, vector<16xi32>,
      %sub3A_220 = arith.constant 1 : i32
      %sub3A_221 = vector.broadcast %sub3A_220 : i32 to vector<16xi32>
      %sub3A_222 = arith.subi %get3A_219, %sub3A_221 : vector<16xi32>
      %add3A_223 = vector.broadcast %mul3A_116 : i32 to vector<16xi32>
      %add3A_224 = arith.addi %sub3A_222, %add3A_223 : vector<16xi32>
      tpu.vector_store_idx %arg7[%add3A_224], %get3A_216 : memref<8192xf32, #tpu.memory_space<vmem>>[vector<16xi32>], vector<16xf32>,
      %get3A_225 = arith.index_cast %scan3A_114 : i32 to index
      %get3A_226 = arith.constant 160 : index
      %get3A_227 = tpu.vector_load %arg5[%get3A_225, %get3A_226] {strides = array<i32>} : memref<32x200xf32, #tpu.memory_space<vmem>>, vector<16xf32>,
      %get3A_228 = arith.index_cast %scan3A_114 : i32 to index
      %get3A_229 = arith.constant 160 : index
      %get3A_230 = tpu.vector_load %arg6[%get3A_228, %get3A_229] {strides = array<i32>} : memref<32x200xi32, #tpu.memory_space<vmem>>, vector<16xi32>,
      %sub3A_231 = arith.constant 1 : i32
      %sub3A_232 = vector.broadcast %sub3A_231 : i32 to vector<16xi32>
      %sub3A_233 = arith.subi %get3A_230, %sub3A_232 : vector<16xi32>
      %add3A_234 = vector.broadcast %mul3A_116 : i32 to vector<16xi32>
      %add3A_235 = arith.addi %sub3A_233, %add3A_234 : vector<16xi32>
      tpu.vector_store_idx %arg7[%add3A_235], %get3A_227 : memref<8192xf32, #tpu.memory_space<vmem>>[vector<16xi32>], vector<16xf32>,
      %get3A_236 = arith.index_cast %scan3A_114 : i32 to index
      %get3A_237 = arith.constant 176 : index
      %get3A_238 = tpu.vector_load %arg5[%get3A_236, %get3A_237] {strides = array<i32>} : memref<32x200xf32, #tpu.memory_space<vmem>>, vector<16xf32>,
      %get3A_239 = arith.index_cast %scan3A_114 : i32 to index
      %get3A_240 = arith.constant 176 : index
      %get3A_241 = tpu.vector_load %arg6[%get3A_239, %get3A_240] {strides = array<i32>} : memref<32x200xi32, #tpu.memory_space<vmem>>, vector<16xi32>,
      %sub3A_242 = arith.constant 1 : i32
      %sub3A_243 = vector.broadcast %sub3A_242 : i32 to vector<16xi32>
      %sub3A_244 = arith.subi %get3A_241, %sub3A_243 : vector<16xi32>
      %add3A_245 = vector.broadcast %mul3A_116 : i32 to vector<16xi32>
      %add3A_246 = arith.addi %sub3A_244, %add3A_245 : vector<16xi32>
      tpu.vector_store_idx %arg7[%add3A_246], %get3A_238 : memref<8192xf32, #tpu.memory_space<vmem>>[vector<16xi32>], vector<16xf32>,
      %get3A_247 = arith.index_cast %scan3A_114 : i32 to index
      %get3A_248 = arith.constant 184 : index
      %get3A_249 = tpu.vector_load %arg5[%get3A_247, %get3A_248] {strides = array<i32>} : memref<32x200xf32, #tpu.memory_space<vmem>>, vector<16xf32>,
      %get3A_250 = arith.index_cast %scan3A_114 : i32 to index
      %get3A_251 = arith.constant 184 : index
      %get3A_252 = tpu.vector_load %arg6[%get3A_250, %get3A_251] {strides = array<i32>} : memref<32x200xi32, #tpu.memory_space<vmem>>, vector<16xi32>,
      %sub3A_253 = arith.constant 1 : i32
      %sub3A_254 = vector.broadcast %sub3A_253 : i32 to vector<16xi32>
      %sub3A_255 = arith.subi %get3A_252, %sub3A_254 : vector<16xi32>
      %add3A_256 = vector.broadcast %mul3A_116 : i32 to vector<16xi32>
      %add3A_257 = arith.addi %sub3A_255, %add3A_256 : vector<16xi32>
      tpu.vector_store_idx %arg7[%add3A_257], %get3A_249 : memref<8192xf32, #tpu.memory_space<vmem>>[vector<16xi32>], vector<16xf32>,
    }
    %scan3A_69 = arith.constant 16 : i32
    %mul3A_70 = arith.constant 8192 : i32
    %mul3A_71 = arith.muli %add3A, %mul3A_70 : i32
    %dma_start3A_72 = arith.constant 0 : i32
    %dma_start3A_73 = tpu.memref_slice %arg7[%dma_start3A_72] : memref<8192xf32, #tpu.memory_space<vmem>> -> memref<4096xf32, #tpu.memory_space<vmem>>
    %dma_start3A_74 = tpu.memref_slice %arg4[%mul3A_71] : memref<262144xf32, #tpu.memory_space<hbm>> -> memref<4096xf32, #tpu.memory_space<hbm>>
    %dma_start3A_75 = tpu.memref_slice %arg4[%mul3A_71] : memref<262144xf32, #tpu.memory_space<hbm>> -> memref<4096xf32, #tpu.memory_space<hbm>>
    %dma_start3A_76 = arith.constant 0 : i32
    %dma_start3A_77 = tpu.memref_slice %arg7[%dma_start3A_76] : memref<8192xf32, #tpu.memory_space<vmem>> -> memref<4096xf32, #tpu.memory_space<vmem>>
    tpu.enqueue_dma source(%dma_start3A_77 : memref<4096xf32, #tpu.memory_space<vmem>>) target(%dma_start3A_75 : memref<4096xf32, #tpu.memory_space<hbm>>) target_semaphore(%arg10 : memref<!tpu.dma_semaphore, #tpu.memory_space<semaphore_mem>>)
    %dma_wait3A_78 = arith.constant 16 : i32
    %dma_wait3A_79 = arith.constant 0 : i32
    %dma_wait3A_80 = tpu.memref_slice %arg5[%dma_wait3A_78, %dma_wait3A_79] : memref<32x200xf32, #tpu.memory_space<vmem>> -> memref<16x200xf32, #tpu.memory_space<vmem>>
    %dma_wait3A_81 = arith.constant 0 : i32
    %dma_wait3A_82 = tpu.memref_slice %arg2[%add3A_23, %dma_wait3A_81] : memref<1024x200xf32, #tpu.memory_space<hbm>> -> memref<16x200xf32, #tpu.memory_space<hbm>>
    %dma_wait3A_83 = arith.constant 16 : i32
    %dma_wait3A_84 = arith.constant 0 : i32
    %dma_wait3A_85 = tpu.memref_slice %arg5[%dma_wait3A_83, %dma_wait3A_84] : memref<32x200xf32, #tpu.memory_space<vmem>> -> memref<16x200xf32, #tpu.memory_space<vmem>>
    %dma_wait3A_86 = arith.constant 0 : i32
    %dma_wait3A_87 = tpu.memref_slice %arg2[%add3A_23, %dma_wait3A_86] : memref<1024x200xf32, #tpu.memory_space<hbm>> -> memref<16x200xf32, #tpu.memory_space<hbm>>
    tpu.wait_dma2 semaphore(%arg9 : memref<!tpu.dma_semaphore, #tpu.memory_space<semaphore_mem>>) src(%dma_wait3A_87 : memref<16x200xf32, #tpu.memory_space<hbm>>) dst(%dma_wait3A_85 : memref<16x200xf32, #tpu.memory_space<vmem>>)
    %dma_wait3A_88 = arith.constant 16 : i32
    %dma_wait3A_89 = arith.constant 0 : i32
    %dma_wait3A_90 = tpu.memref_slice %arg6[%dma_wait3A_88, %dma_wait3A_89] : memref<32x200xi32, #tpu.memory_space<vmem>> -> memref<16x200xi32, #tpu.memory_space<vmem>>
    %dma_wait3A_91 = arith.constant 0 : i32
    %dma_wait3A_92 = tpu.memref_slice %arg3[%add3A_35, %dma_wait3A_91] : memref<1024x200xi32, #tpu.memory_space<hbm>> -> memref<16x200xi32, #tpu.memory_space<hbm>>
    %dma_wait3A_93 = arith.constant 16 : i32
    %dma_wait3A_94 = arith.constant 0 : i32
    %dma_wait3A_95 = tpu.memref_slice %arg6[%dma_wait3A_93, %dma_wait3A_94] : memref<32x200xi32, #tpu.memory_space<vmem>> -> memref<16x200xi32, #tpu.memory_space<vmem>>
    %dma_wait3A_96 = arith.constant 0 : i32
    %dma_wait3A_97 = tpu.memref_slice %arg3[%add3A_35, %dma_wait3A_96] : memref<1024x200xi32, #tpu.memory_space<hbm>> -> memref<16x200xi32, #tpu.memory_space<hbm>>
    tpu.wait_dma2 semaphore(%arg9 : memref<!tpu.dma_semaphore, #tpu.memory_space<semaphore_mem>>) src(%dma_wait3A_97 : memref<16x200xi32, #tpu.memory_space<hbm>>) dst(%dma_wait3A_95 : memref<16x200xi32, #tpu.memory_space<vmem>>)
    %scan3A_98 = arith.constant 0 : i32
    %scan3A_99 = arith.constant 16 : i32
    %scan3A_100 = arith.constant 16 : i32
    %scan3A_101 = arith.addi %scan3A_99, %scan3A_100 : i32
    %scan3A_102 = arith.constant 1 : i32
    scf.for %scan3A_114 = %scan3A_99 to %scan3A_101 step %scan3A_102  : i32 {
      %mul3A_115 = arith.constant 256 : i32
      %mul3A_116 = arith.muli %scan3A_114, %mul3A_115 : i32
      %get3A = arith.index_cast %scan3A_114 : i32 to index
      %get3A_117 = arith.constant 0 : index
      %get3A_118 = tpu.vector_load %arg5[%get3A, %get3A_117] {strides = array<i32>} : memref<32x200xf32, #tpu.memory_space<vmem>>, vector<16xf32>,
      %get3A_119 = arith.index_cast %scan3A_114 : i32 to index
      %get3A_120 = arith.constant 0 : index
      %get3A_121 = tpu.vector_load %arg6[%get3A_119, %get3A_120] {strides = array<i32>} : memref<32x200xi32, #tpu.memory_space<vmem>>, vector<16xi32>,
      %sub3A = arith.constant 1 : i32
      %sub3A_122 = vector.broadcast %sub3A : i32 to vector<16xi32>
      %sub3A_123 = arith.subi %get3A_121, %sub3A_122 : vector<16xi32>
      %add3A_124 = vector.broadcast %mul3A_116 : i32 to vector<16xi32>
      %add3A_125 = arith.addi %sub3A_123, %add3A_124 : vector<16xi32>
      tpu.vector_store_idx %arg7[%add3A_125], %get3A_118 : memref<8192xf32, #tpu.memory_space<vmem>>[vector<16xi32>], vector<16xf32>,
      %get3A_126 = arith.index_cast %scan3A_114 : i32 to index
      %get3A_127 = arith.constant 16 : index
      %get3A_128 = tpu.vector_load %arg5[%get3A_126, %get3A_127] {strides = array<i32>} : memref<32x200xf32, #tpu.memory_space<vmem>>, vector<16xf32>,
      %get3A_129 = arith.index_cast %scan3A_114 : i32 to index
      %get3A_130 = arith.constant 16 : index
      %get3A_131 = tpu.vector_load %arg6[%get3A_129, %get3A_130] {strides = array<i32>} : memref<32x200xi32, #tpu.memory_space<vmem>>, vector<16xi32>,
      %sub3A_132 = arith.constant 1 : i32
      %sub3A_133 = vector.broadcast %sub3A_132 : i32 to vector<16xi32>
      %sub3A_134 = arith.subi %get3A_131, %sub3A_133 : vector<16xi32>
      %add3A_135 = vector.broadcast %mul3A_116 : i32 to vector<16xi32>
      %add3A_136 = arith.addi %sub3A_134, %add3A_135 : vector<16xi32>
      tpu.vector_store_idx %arg7[%add3A_136], %get3A_128 : memref<8192xf32, #tpu.memory_space<vmem>>[vector<16xi32>], vector<16xf32>,
      %get3A_137 = arith.index_cast %scan3A_114 : i32 to index
      %get3A_138 = arith.constant 32 : index
      %get3A_139 = tpu.vector_load %arg5[%get3A_137, %get3A_138] {strides = array<i32>} : memref<32x200xf32, #tpu.memory_space<vmem>>, vector<16xf32>,
      %get3A_140 = arith.index_cast %scan3A_114 : i32 to index
      %get3A_141 = arith.constant 32 : index
      %get3A_142 = tpu.vector_load %arg6[%get3A_140, %get3A_141] {strides = array<i32>} : memref<32x200xi32, #tpu.memory_space<vmem>>, vector<16xi32>,
      %sub3A_143 = arith.constant 1 : i32
      %sub3A_144 = vector.broadcast %sub3A_143 : i32 to vector<16xi32>
      %sub3A_145 = arith.subi %get3A_142, %sub3A_144 : vector<16xi32>
      %add3A_146 = vector.broadcast %mul3A_116 : i32 to vector<16xi32>
      %add3A_147 = arith.addi %sub3A_145, %add3A_146 : vector<16xi32>
      tpu.vector_store_idx %arg7[%add3A_147], %get3A_139 : memref<8192xf32, #tpu.memory_space<vmem>>[vector<16xi32>], vector<16xf32>,
      %get3A_148 = arith.index_cast %scan3A_114 : i32 to index
      %get3A_149 = arith.constant 48 : index
      %get3A_150 = tpu.vector_load %arg5[%get3A_148, %get3A_149] {strides = array<i32>} : memref<32x200xf32, #tpu.memory_space<vmem>>, vector<16xf32>,
      %get3A_151 = arith.index_cast %scan3A_114 : i32 to index
      %get3A_152 = arith.constant 48 : index
      %get3A_153 = tpu.vector_load %arg6[%get3A_151, %get3A_152] {strides = array<i32>} : memref<32x200xi32, #tpu.memory_space<vmem>>, vector<16xi32>,
      %sub3A_154 = arith.constant 1 : i32
      %sub3A_155 = vector.broadcast %sub3A_154 : i32 to vector<16xi32>
      %sub3A_156 = arith.subi %get3A_153, %sub3A_155 : vector<16xi32>
      %add3A_157 = vector.broadcast %mul3A_116 : i32 to vector<16xi32>
      %add3A_158 = arith.addi %sub3A_156, %add3A_157 : vector<16xi32>
      tpu.vector_store_idx %arg7[%add3A_158], %get3A_150 : memref<8192xf32, #tpu.memory_space<vmem>>[vector<16xi32>], vector<16xf32>,
      %get3A_159 = arith.index_cast %scan3A_114 : i32 to index
      %get3A_160 = arith.constant 64 : index
      %get3A_161 = tpu.vector_load %arg5[%get3A_159, %get3A_160] {strides = array<i32>} : memref<32x200xf32, #tpu.memory_space<vmem>>, vector<16xf32>,
      %get3A_162 = arith.index_cast %scan3A_114 : i32 to index
      %get3A_163 = arith.constant 64 : index
      %get3A_164 = tpu.vector_load %arg6[%get3A_162, %get3A_163] {strides = array<i32>} : memref<32x200xi32, #tpu.memory_space<vmem>>, vector<16xi32>,
      %sub3A_165 = arith.constant 1 : i32
      %sub3A_166 = vector.broadcast %sub3A_165 : i32 to vector<16xi32>
      %sub3A_167 = arith.subi %get3A_164, %sub3A_166 : vector<16xi32>
      %add3A_168 = vector.broadcast %mul3A_116 : i32 to vector<16xi32>
      %add3A_169 = arith.addi %sub3A_167, %add3A_168 : vector<16xi32>
      tpu.vector_store_idx %arg7[%add3A_169], %get3A_161 : memref<8192xf32, #tpu.memory_space<vmem>>[vector<16xi32>], vector<16xf32>,
      %get3A_170 = arith.index_cast %scan3A_114 : i32 to index
      %get3A_171 = arith.constant 80 : index
      %get3A_172 = tpu.vector_load %arg5[%get3A_170, %get3A_171] {strides = array<i32>} : memref<32x200xf32, #tpu.memory_space<vmem>>, vector<16xf32>,
      %get3A_173 = arith.index_cast %scan3A_114 : i32 to index
      %get3A_174 = arith.constant 80 : index
      %get3A_175 = tpu.vector_load %arg6[%get3A_173, %get3A_174] {strides = array<i32>} : memref<32x200xi32, #tpu.memory_space<vmem>>, vector<16xi32>,
      %sub3A_176 = arith.constant 1 : i32
      %sub3A_177 = vector.broadcast %sub3A_176 : i32 to vector<16xi32>
      %sub3A_178 = arith.subi %get3A_175, %sub3A_177 : vector<16xi32>
      %add3A_179 = vector.broadcast %mul3A_116 : i32 to vector<16xi32>
      %add3A_180 = arith.addi %sub3A_178, %add3A_179 : vector<16xi32>
      tpu.vector_store_idx %arg7[%add3A_180], %get3A_172 : memref<8192xf32, #tpu.memory_space<vmem>>[vector<16xi32>], vector<16xf32>,
      %get3A_181 = arith.index_cast %scan3A_114 : i32 to index
      %get3A_182 = arith.constant 96 : index
      %get3A_183 = tpu.vector_load %arg5[%get3A_181, %get3A_182] {strides = array<i32>} : memref<32x200xf32, #tpu.memory_space<vmem>>, vector<16xf32>,
      %get3A_184 = arith.index_cast %scan3A_114 : i32 to index
      %get3A_185 = arith.constant 96 : index
      %get3A_186 = tpu.vector_load %arg6[%get3A_184, %get3A_185] {strides = array<i32>} : memref<32x200xi32, #tpu.memory_space<vmem>>, vector<16xi32>,
      %sub3A_187 = arith.constant 1 : i32
      %sub3A_188 = vector.broadcast %sub3A_187 : i32 to vector<16xi32>
      %sub3A_189 = arith.subi %get3A_186, %sub3A_188 : vector<16xi32>
      %add3A_190 = vector.broadcast %mul3A_116 : i32 to vector<16xi32>
      %add3A_191 = arith.addi %sub3A_189, %add3A_190 : vector<16xi32>
      tpu.vector_store_idx %arg7[%add3A_191], %get3A_183 : memref<8192xf32, #tpu.memory_space<vmem>>[vector<16xi32>], vector<16xf32>,
      %get3A_192 = arith.index_cast %scan3A_114 : i32 to index
      %get3A_193 = arith.constant 112 : index
      %get3A_194 = tpu.vector_load %arg5[%get3A_192, %get3A_193] {strides = array<i32>} : memref<32x200xf32, #tpu.memory_space<vmem>>, vector<16xf32>,
      %get3A_195 = arith.index_cast %scan3A_114 : i32 to index
      %get3A_196 = arith.constant 112 : index
      %get3A_197 = tpu.vector_load %arg6[%get3A_195, %get3A_196] {strides = array<i32>} : memref<32x200xi32, #tpu.memory_space<vmem>>, vector<16xi32>,
      %sub3A_198 = arith.constant 1 : i32
      %sub3A_199 = vector.broadcast %sub3A_198 : i32 to vector<16xi32>
      %sub3A_200 = arith.subi %get3A_197, %sub3A_199 : vector<16xi32>
      %add3A_201 = vector.broadcast %mul3A_116 : i32 to vector<16xi32>
      %add3A_202 = arith.addi %sub3A_200, %add3A_201 : vector<16xi32>
      tpu.vector_store_idx %arg7[%add3A_202], %get3A_194 : memref<8192xf32, #tpu.memory_space<vmem>>[vector<16xi32>], vector<16xf32>,
      %get3A_203 = arith.index_cast %scan3A_114 : i32 to index
      %get3A_204 = arith.constant 128 : index
      %get3A_205 = tpu.vector_load %arg5[%get3A_203, %get3A_204] {strides = array<i32>} : memref<32x200xf32, #tpu.memory_space<vmem>>, vector<16xf32>,
      %get3A_206 = arith.index_cast %scan3A_114 : i32 to index
      %get3A_207 = arith.constant 128 : index
      %get3A_208 = tpu.vector_load %arg6[%get3A_206, %get3A_207] {strides = array<i32>} : memref<32x200xi32, #tpu.memory_space<vmem>>, vector<16xi32>,
      %sub3A_209 = arith.constant 1 : i32
      %sub3A_210 = vector.broadcast %sub3A_209 : i32 to vector<16xi32>
      %sub3A_211 = arith.subi %get3A_208, %sub3A_210 : vector<16xi32>
      %add3A_212 = vector.broadcast %mul3A_116 : i32 to vector<16xi32>
      %add3A_213 = arith.addi %sub3A_211, %add3A_212 : vector<16xi32>
      tpu.vector_store_idx %arg7[%add3A_213], %get3A_205 : memref<8192xf32, #tpu.memory_space<vmem>>[vector<16xi32>], vector<16xf32>,
      %get3A_214 = arith.index_cast %scan3A_114 : i32 to index
      %get3A_215 = arith.constant 144 : index
      %get3A_216 = tpu.vector_load %arg5[%get3A_214, %get3A_215] {strides = array<i32>} : memref<32x200xf32, #tpu.memory_space<vmem>>, vector<16xf32>,
      %get3A_217 = arith.index_cast %scan3A_114 : i32 to index
      %get3A_218 = arith.constant 144 : index
      %get3A_219 = tpu.vector_load %arg6[%get3A_217, %get3A_218] {strides = array<i32>} : memref<32x200xi32, #tpu.memory_space<vmem>>, vector<16xi32>,
      %sub3A_220 = arith.constant 1 : i32
      %sub3A_221 = vector.broadcast %sub3A_220 : i32 to vector<16xi32>
      %sub3A_222 = arith.subi %get3A_219, %sub3A_221 : vector<16xi32>
      %add3A_223 = vector.broadcast %mul3A_116 : i32 to vector<16xi32>
      %add3A_224 = arith.addi %sub3A_222, %add3A_223 : vector<16xi32>
      tpu.vector_store_idx %arg7[%add3A_224], %get3A_216 : memref<8192xf32, #tpu.memory_space<vmem>>[vector<16xi32>], vector<16xf32>,
      %get3A_225 = arith.index_cast %scan3A_114 : i32 to index
      %get3A_226 = arith.constant 160 : index
      %get3A_227 = tpu.vector_load %arg5[%get3A_225, %get3A_226] {strides = array<i32>} : memref<32x200xf32, #tpu.memory_space<vmem>>, vector<16xf32>,
      %get3A_228 = arith.index_cast %scan3A_114 : i32 to index
      %get3A_229 = arith.constant 160 : index
      %get3A_230 = tpu.vector_load %arg6[%get3A_228, %get3A_229] {strides = array<i32>} : memref<32x200xi32, #tpu.memory_space<vmem>>, vector<16xi32>,
      %sub3A_231 = arith.constant 1 : i32
      %sub3A_232 = vector.broadcast %sub3A_231 : i32 to vector<16xi32>
      %sub3A_233 = arith.subi %get3A_230, %sub3A_232 : vector<16xi32>
      %add3A_234 = vector.broadcast %mul3A_116 : i32 to vector<16xi32>
      %add3A_235 = arith.addi %sub3A_233, %add3A_234 : vector<16xi32>
      tpu.vector_store_idx %arg7[%add3A_235], %get3A_227 : memref<8192xf32, #tpu.memory_space<vmem>>[vector<16xi32>], vector<16xf32>,
      %get3A_236 = arith.index_cast %scan3A_114 : i32 to index
      %get3A_237 = arith.constant 176 : index
      %get3A_238 = tpu.vector_load %arg5[%get3A_236, %get3A_237] {strides = array<i32>} : memref<32x200xf32, #tpu.memory_space<vmem>>, vector<16xf32>,
      %get3A_239 = arith.index_cast %scan3A_114 : i32 to index
      %get3A_240 = arith.constant 176 : index
      %get3A_241 = tpu.vector_load %arg6[%get3A_239, %get3A_240] {strides = array<i32>} : memref<32x200xi32, #tpu.memory_space<vmem>>, vector<16xi32>,
      %sub3A_242 = arith.constant 1 : i32
      %sub3A_243 = vector.broadcast %sub3A_242 : i32 to vector<16xi32>
      %sub3A_244 = arith.subi %get3A_241, %sub3A_243 : vector<16xi32>
      %add3A_245 = vector.broadcast %mul3A_116 : i32 to vector<16xi32>
      %add3A_246 = arith.addi %sub3A_244, %add3A_245 : vector<16xi32>
      tpu.vector_store_idx %arg7[%add3A_246], %get3A_238 : memref<8192xf32, #tpu.memory_space<vmem>>[vector<16xi32>], vector<16xf32>,
      %get3A_247 = arith.index_cast %scan3A_114 : i32 to index
      %get3A_248 = arith.constant 184 : index
      %get3A_249 = tpu.vector_load %arg5[%get3A_247, %get3A_248] {strides = array<i32>} : memref<32x200xf32, #tpu.memory_space<vmem>>, vector<16xf32>,
      %get3A_250 = arith.index_cast %scan3A_114 : i32 to index
      %get3A_251 = arith.constant 184 : index
      %get3A_252 = tpu.vector_load %arg6[%get3A_250, %get3A_251] {strides = array<i32>} : memref<32x200xi32, #tpu.memory_space<vmem>>, vector<16xi32>,
      %sub3A_253 = arith.constant 1 : i32
      %sub3A_254 = vector.broadcast %sub3A_253 : i32 to vector<16xi32>
      %sub3A_255 = arith.subi %get3A_252, %sub3A_254 : vector<16xi32>
      %add3A_256 = vector.broadcast %mul3A_116 : i32 to vector<16xi32>
      %add3A_257 = arith.addi %sub3A_255, %add3A_256 : vector<16xi32>
      tpu.vector_store_idx %arg7[%add3A_257], %get3A_249 : memref<8192xf32, #tpu.memory_space<vmem>>[vector<16xi32>], vector<16xf32>,
    }
    %scan3A_103 = arith.constant 16 : i32
    %dma_wait3A_104 = arith.constant 0 : i32
    %dma_wait3A_105 = tpu.memref_slice %arg7[%dma_wait3A_104] : memref<8192xf32, #tpu.memory_space<vmem>> -> memref<4096xf32, #tpu.memory_space<vmem>>
    %dma_wait3A_106 = tpu.memref_slice %arg4[%mul3A_71] : memref<262144xf32, #tpu.memory_space<hbm>> -> memref<4096xf32, #tpu.memory_space<hbm>>
    %dma_wait3A_107 = tpu.memref_slice %arg4[%mul3A_71] : memref<262144xf32, #tpu.memory_space<hbm>> -> memref<4096xf32, #tpu.memory_space<hbm>>
    %dma_wait3A_108 = arith.constant 0 : i32
    %dma_wait3A_109 = tpu.memref_slice %arg7[%dma_wait3A_108] : memref<8192xf32, #tpu.memory_space<vmem>> -> memref<4096xf32, #tpu.memory_space<vmem>>
    tpu.wait_dma2 semaphore(%arg10 : memref<!tpu.dma_semaphore, #tpu.memory_space<semaphore_mem>>) src(%dma_wait3A_109 : memref<4096xf32, #tpu.memory_space<vmem>>) dst(%dma_wait3A_107 : memref<4096xf32, #tpu.memory_space<hbm>>)
    %mul3A_110 = arith.constant 8192 : i32
    %mul3A_111 = arith.muli %add3A, %mul3A_110 : i32
    %add3A_112 = arith.constant 4096 : i32
    %add3A_113 = arith.addi %mul3A_111, %add3A_112 : i32
    "tpu.region"() ({
      %run_scoped3A = tpu.sem_alloc : memref<!tpu.dma_semaphore, #tpu.memory_space<semaphore_mem>>
      %dma_start3A_114 = arith.constant 4096 : i32
      %dma_start3A_115 = tpu.memref_slice %arg7[%dma_start3A_114] : memref<8192xf32, #tpu.memory_space<vmem>> -> memref<4096xf32, #tpu.memory_space<vmem>>
      %dma_start3A_116 = tpu.memref_slice %arg4[%add3A_113] : memref<262144xf32, #tpu.memory_space<hbm>> -> memref<4096xf32, #tpu.memory_space<hbm>>
      %dma_start3A_117 = tpu.memref_slice %arg4[%add3A_113] : memref<262144xf32, #tpu.memory_space<hbm>> -> memref<4096xf32, #tpu.memory_space<hbm>>
      %dma_start3A_118 = arith.constant 4096 : i32
      %dma_start3A_119 = tpu.memref_slice %arg7[%dma_start3A_118] : memref<8192xf32, #tpu.memory_space<vmem>> -> memref<4096xf32, #tpu.memory_space<vmem>>
      tpu.enqueue_dma source(%dma_start3A_119 : memref<4096xf32, #tpu.memory_space<vmem>>) target(%dma_start3A_117 : memref<4096xf32, #tpu.memory_space<hbm>>) target_semaphore(%run_scoped3A : memref<!tpu.dma_semaphore, #tpu.memory_space<semaphore_mem>>)
      %dma_wait3A_120 = arith.constant 4096 : i32
      %dma_wait3A_121 = tpu.memref_slice %arg7[%dma_wait3A_120] : memref<8192xf32, #tpu.memory_space<vmem>> -> memref<4096xf32, #tpu.memory_space<vmem>>
      %dma_wait3A_122 = tpu.memref_slice %arg4[%add3A_113] : memref<262144xf32, #tpu.memory_space<hbm>> -> memref<4096xf32, #tpu.memory_space<hbm>>
      %dma_wait3A_123 = tpu.memref_slice %arg4[%add3A_113] : memref<262144xf32, #tpu.memory_space<hbm>> -> memref<4096xf32, #tpu.memory_space<hbm>>
      %dma_wait3A_124 = arith.constant 4096 : i32
      %dma_wait3A_125 = tpu.memref_slice %arg7[%dma_wait3A_124] : memref<8192xf32, #tpu.memory_space<vmem>> -> memref<4096xf32, #tpu.memory_space<vmem>>
      tpu.wait_dma2 semaphore(%run_scoped3A : memref<!tpu.dma_semaphore, #tpu.memory_space<semaphore_mem>>) src(%dma_wait3A_125 : memref<4096xf32, #tpu.memory_space<vmem>>) dst(%dma_wait3A_123 : memref<4096xf32, #tpu.memory_space<hbm>>)
      tpu.yield
    }) : () -> ()
    return
  }
}

module attributes {stable_mosaic.version = 14 : i64} {
  func.func @body(%arg0: i32, %arg1: memref<2048x128xf32, #tpu.memory_space<vmem>>, %arg2: memref<1x1xf32, #tpu.memory_space<vmem>>) attributes {dimension_semantics = [#tpu.dimension_semantics<arbitrary>], iteration_bounds = array<i64: 1>, scalar_prefetch = 0 : i64, scratch_operands = 0 : i64, tpu.core_type = #tpu.core_type<tc>, window_params = [{transform_indices = @transform_0, window_bounds = array<i64: 2048, 128>}, {pipeline_mode = #tpu.pipeline_mode<synchronous>, transform_indices = @transform_1, window_bounds = array<i64: 1, 1>}]} {
    %broadcast_in_dim3A = arith.constant 0xFF800000 : f32
    %broadcast_in_dim3A_0 = vector.broadcast %broadcast_in_dim3A : f32 to vector<1x1xf32>
    %broadcast_in_dim3A_1 = arith.constant 0.000000e+00 : f32
    %broadcast_in_dim3A_2 = vector.broadcast %broadcast_in_dim3A_1 : f32 to vector<1x1xf32>
    %iota3A = tpu.iota {dimensions = array<i32: 0>} : vector<2048x1xi32>
    %jit3A = arith.constant 2 : i32
    %eq3A = arith.constant 0 : i32
    %eq3A_3 = arith.cmpi eq, %jit3A, %eq3A : i32
    %jit3A_4 = arith.constant 1 : i32
    %select_n3A = arith.select %eq3A_3, %jit3A_4, %jit3A : i32
    %rem3A = vector.broadcast %select_n3A : i32 to vector<2048x1xi32>
    %rem3A_5 = arith.remsi %iota3A, %rem3A : vector<2048x1xi32>
    %ne3A = arith.constant 0 : i32
    %ne3A_6 = vector.broadcast %ne3A : i32 to vector<2048x1xi32>
    %ne3A_7 = arith.cmpi ne, %rem3A_5, %ne3A_6 : vector<2048x1xi32>
    %lt3A = arith.constant 0 : i32
    %lt3A_8 = vector.broadcast %lt3A : i32 to vector<2048x1xi32>
    %lt3A_9 = arith.cmpi slt, %rem3A_5, %lt3A_8 : vector<2048x1xi32>
    %lt3A_10 = arith.constant 0 : i32
    %lt3A_11 = arith.cmpi slt, %select_n3A, %lt3A_10 : i32
    %ne3A_12 = vector.broadcast %lt3A_11 : i1 to vector<2048x1xi1>
    %ne3A_13 = vector.broadcast %ne3A_12 : vector<2048x1xi1> to vector<2048x1xi1>
    %ne3A_14 = arith.xori %lt3A_9, %ne3A_13 : vector<2048x1xi1>
    %and3A = arith.andi %ne3A_14, %ne3A_7 : vector<2048x1xi1>
    %add3A = vector.broadcast %select_n3A : i32 to vector<2048x1xi32>
    %add3A_15 = arith.addi %rem3A_5, %add3A : vector<2048x1xi32>
    %select_n3A_16 = arith.select %and3A, %add3A_15, %rem3A_5 : vector<2048x1xi1>, vector<2048x1xi32>
    %eq3A_17 = arith.constant 0 : i32
    %eq3A_18 = vector.broadcast %eq3A_17 : i32 to vector<2048x1xi32>
    %eq3A_19 = arith.cmpi eq, %select_n3A_16, %eq3A_18 : vector<2048x1xi32>
    %iota3A_20 = tpu.iota {dimensions = array<i32: 1>} : vector<2048x128xi32>
    %lt3A_21 = arith.constant 72 : i32
    %lt3A_22 = vector.broadcast %lt3A_21 : i32 to vector<2048x128xi32>
    %lt3A_23 = arith.cmpi slt, %iota3A_20, %lt3A_22 : vector<2048x128xi32>
    %or3A = vector.broadcast %eq3A_19 : vector<2048x1xi1> to vector<2048x128xi1>
    %or3A_24 = arith.ori %or3A, %lt3A_23 : vector<2048x128xi1>
    %get3A = arith.constant 0 : index
    %get3A_25 = arith.constant 0 : index
    %get3A_26 = vector.load %arg1[%get3A, %get3A_25] : memref<2048x128xf32, #tpu.memory_space<vmem>>, vector<2048x128xf32>
    %jit3A_27 = arith.constant 0xFF800000 : f32
    %broadcast_in_dim3A_28 = vector.broadcast %jit3A_27 : f32 to vector<2048x128xf32>
    %select_n3A_29 = arith.select %or3A_24, %get3A_26, %broadcast_in_dim3A_28 : vector<2048x128xi1>, vector<2048x128xf32>
    %reduce_max3A = arith.constant dense<0xFF800000> : vector<2048xf32>
    %reduce_max3A_30 = vector.multi_reduction <maximumf>, %select_n3A_29, %reduce_max3A [1] : vector<2048x128xf32> to vector<2048xf32>
    %broadcast_in_dim3A_31 = vector.shape_cast %reduce_max3A_30 : vector<2048xf32> to vector<2048x1xf32>
    %slice3A = vector.extract_strided_slice %broadcast_in_dim3A_31 {offsets = [1, 0], sizes = [2047, 1], strides = [1, 1]} : vector<2048x1xf32> to vector<2047x1xf32>
    %concatenate3A = tpu.concatenate %slice3A, %broadcast_in_dim3A_0 in 0 : vector<2047x1xf32>, vector<1x1xf32> -> vector<2048x1xf32>
    %slice3A_32 = vector.extract_strided_slice %broadcast_in_dim3A_31 {offsets = [0, 0], sizes = [2047, 1], strides = [1, 1]} : vector<2048x1xf32> to vector<2047x1xf32>
    %concatenate3A_33 = tpu.concatenate %broadcast_in_dim3A_0, %slice3A_32 in 0 : vector<1x1xf32>, vector<2047x1xf32> -> vector<2048x1xf32>
    %select_n3A_34 = arith.select %eq3A_19, %concatenate3A, %concatenate3A_33 : vector<2048x1xi1>, vector<2048x1xf32>
    %max3A = arith.maximumf %broadcast_in_dim3A_31, %select_n3A_34 : vector<2048x1xf32>
    %sub3A = vector.broadcast %max3A : vector<2048x1xf32> to vector<2048x128xf32>
    %sub3A_35 = arith.subf %select_n3A_29, %sub3A : vector<2048x128xf32>
    %exp3A = math.exp %sub3A_35 : vector<2048x128xf32>
    %iota3A_36 = tpu.iota {dimensions = array<i32: 0>} : vector<128x128xi32>
    %iota3A_37 = tpu.iota {dimensions = array<i32: 1>} : vector<128x128xi32>
    %ge3A = arith.cmpi sge, %iota3A_36, %iota3A_37 : vector<128x128xi32>
    %convert_element_type3A = arith.extui %ge3A : vector<128x128xi1> to vector<128x128xi32>
    %convert_element_type3A_38 = arith.sitofp %convert_element_type3A : vector<128x128xi32> to vector<128x128xf32>
    %dot_general3A = arith.constant dense<0.000000e+00> : vector<2048x128xf32>
    %dot_general3A_39 = tpu.matmul %exp3A, %convert_element_type3A_38, %dot_general3A {dimension_numbers = #tpu.dot_dimension_numbers<[1], [0], [0], [1], [0, 0, 1, 1], [], []>, precision = #tpu.contract_precision<fp32>, transpose_lhs_hint = false} : vector<2048x128xf32>, vector<128x128xf32>, vector<2048x128xf32> -> vector<2048x128xf32>
    %slice3A_40 = vector.extract_strided_slice %dot_general3A_39 {offsets = [1, 0], sizes = [2047, 1], strides = [1, 1]} : vector<2048x128xf32> to vector<2047x1xf32>
    %concatenate3A_41 = tpu.concatenate %slice3A_40, %broadcast_in_dim3A_2 in 0 : vector<2047x1xf32>, vector<1x1xf32> -> vector<2048x1xf32>
    %jit3A_42 = arith.constant 0.000000e+00 : f32
    %broadcast_in_dim3A_43 = vector.broadcast %jit3A_42 : f32 to vector<2048x1xf32>
    %select_n3A_44 = arith.select %eq3A_19, %concatenate3A_41, %broadcast_in_dim3A_43 : vector<2048x1xi1>, vector<2048x1xf32>
    %add3A_45 = vector.broadcast %select_n3A_44 : vector<2048x1xf32> to vector<2048x128xf32>
    %add3A_46 = arith.addf %dot_general3A_39, %add3A_45 : vector<2048x128xf32>
    %log3A = math.log %add3A_46 : vector<2048x128xf32>
    %add3A_47 = vector.broadcast %max3A : vector<2048x1xf32> to vector<2048x128xf32>
    %add3A_48 = arith.addf %log3A, %add3A_47 : vector<2048x128xf32>
    %jit3A_49 = arith.constant 0.000000e+00 : f32
    %broadcast_in_dim3A_50 = vector.broadcast %jit3A_49 : f32 to vector<2048x128xf32>
    %select_n3A_51 = arith.select %or3A_24, %add3A_48, %broadcast_in_dim3A_50 : vector<2048x128xi1>, vector<2048x128xf32>
    %reduce_sum3A = vector.shape_cast %select_n3A_51 : vector<2048x128xf32> to vector<1x2048x128xf32>
    %reduce_sum3A_52 = arith.constant dense<0.000000e+00> : vector<1xf32>
    %reduce_sum3A_53 = vector.multi_reduction <add>, %reduce_sum3A, %reduce_sum3A_52 [1, 2] : vector<1x2048x128xf32> to vector<1xf32>
    %reduce_sum3A_54 = vector.shape_cast %reduce_sum3A_53 : vector<1xf32> to vector<1x1x1xf32>
    %reduce_sum3A_55 = vector.extract %reduce_sum3A_54[0, 0, 0] : f32 from vector<1x1x1xf32>
    %jit3A_56 = arith.constant 0.000000e+00 : f32
    %broadcast_in_dim3A_57 = vector.broadcast %jit3A_56 : f32 to vector<2048x128xf32>
    %select_n3A_58 = arith.select %or3A_24, %select_n3A_29, %broadcast_in_dim3A_57 : vector<2048x128xi1>, vector<2048x128xf32>
    %reduce_sum3A_59 = vector.shape_cast %select_n3A_58 : vector<2048x128xf32> to vector<1x2048x128xf32>
    %reduce_sum3A_60 = arith.constant dense<0.000000e+00> : vector<1xf32>
    %reduce_sum3A_61 = vector.multi_reduction <add>, %reduce_sum3A_59, %reduce_sum3A_60 [1, 2] : vector<1x2048x128xf32> to vector<1xf32>
    %reduce_sum3A_62 = vector.shape_cast %reduce_sum3A_61 : vector<1xf32> to vector<1x1x1xf32>
    %reduce_sum3A_63 = vector.extract %reduce_sum3A_62[0, 0, 0] : f32 from vector<1x1x1xf32>
    %sub3A_64 = arith.subf %reduce_sum3A_55, %reduce_sum3A_63 : f32
    %div3A = arith.constant 2.048000e+05 : f32
    %div3A_65 = arith.divf %sub3A_64, %div3A : f32
    %eq3A_66 = arith.constant 0 : i32
    %eq3A_67 = arith.cmpi eq, %arg0, %eq3A_66 : i32
    %convert_element_type3A_68 = arith.extui %eq3A_67 : i1 to i32
    %cond3A = arith.constant 0 : i32
    %cond3A_69 = arith.cmpi ne, %convert_element_type3A_68, %cond3A : i32
    scf.if %cond3A_69 {
      %broadcast_in_dim3A_77 = arith.constant 0.000000e+00 : f32
      %broadcast_in_dim3A_78 = vector.broadcast %broadcast_in_dim3A_77 : f32 to vector<1x1xf32>
      %swap3A_79 = arith.constant 0 : index
      %swap3A_80 = arith.constant 0 : index
      %swap3A_81 = vector.load %arg2[%swap3A_79, %swap3A_80] : memref<1x1xf32, #tpu.memory_space<vmem>>, vector<1x1xf32>
      tpu.vector_store %arg2[%swap3A_79, %swap3A_80], %broadcast_in_dim3A_78 {strides = array<i32>} : memref<1x1xf32, #tpu.memory_space<vmem>>, vector<1x1xf32>,
    } else {
    }
    %get3A_70 = arith.constant 0 : index
    %get3A_71 = arith.constant 0 : index
    %get3A_72 = vector.load %arg2[%get3A_70, %get3A_71] : memref<1x1xf32, #tpu.memory_space<vmem>>, vector<1x1xf32>
    %broadcast_in_dim3A_73 = vector.broadcast %div3A_65 : f32 to vector<1x1xf32>
    %add3A_74 = arith.addf %get3A_72, %broadcast_in_dim3A_73 : vector<1x1xf32>
    %swap3A = arith.constant 0 : index
    %swap3A_75 = arith.constant 0 : index
    %swap3A_76 = vector.load %arg2[%swap3A, %swap3A_75] : memref<1x1xf32, #tpu.memory_space<vmem>>, vector<1x1xf32>
    tpu.vector_store %arg2[%swap3A, %swap3A_75], %add3A_74 {strides = array<i32>} : memref<1x1xf32, #tpu.memory_space<vmem>>, vector<1x1xf32>,
    return
  }
  func.func @transform_0(%arg0: i32) -> (i32, i32) {
    %c0_i32 = arith.constant 0 : i32
    %c0_i32_0 = arith.constant 0 : i32
    return %arg0, %c0_i32 : i32, i32
  }
  func.func @transform_1(%arg0: i32) -> (i32, i32) {
    %c0_i32 = arith.constant 0 : i32
    %c0_i32_0 = arith.constant 0 : i32
    %c0_i32_1 = arith.constant 0 : i32
    return %c0_i32, %c0_i32_0 : i32, i32
  }
}

</mosaic_0001>

<sc_bundles>
// kernel: kernel.4.cloned.1.call-start
scs
__scs_entry_jumppad:
0x0: {  	(pc) =	sbr.rel $0x88, $3  }
0x1: {  	(tag) =	ssettag $0x0;
	lr =	simm.s32 $0x1  }
0x2: {  	[smem:$0x3F9F] =	sst lr;
	_ =	strace $0xD0000000  }
0x3: {  	_ = 	snop  }
0x4: {  	_ = 	snop  }
0x5: {  	_ = 	snop  }
0x6: {  	_ = 	snop  }
0x7: {  	_ = 	snop  }
__scs_overlays_trampoline_lowered:
0x8: {  	[smem:$0x3FAE] =	sst s0  }
0x9: {  	[smem:$0x3FAF] =	sst s1  }
0xa: {  	[smem:$0x3FB0] =	sst s2  }
0xb: {  	[smem:$0x3FB1] =	sst s3  }
0xc: {  	[smem:$0x3FB2] =	sst s4  }
0xd: {  	[smem:$0x3FB3] =	sst s5  }
0xe: {  	[smem:$0x3FB4] =	sst s6  }
0xf: {  	[smem:$0x3FB5] =	sst s7  }
0x10: {  	[smem:$0x3FB6] =	sst s8  }
0x11: {  	[smem:$0x3FB7] =	sst s9;
	s0 =	simm.s32 @!p0 $0x0  }
0x12: {  	s1 =	sld [smem:$0x3F9D];
	s0 =	simm.s32 @p0 $0x1  }
0x13: {  	[smem:$0x3FB8] =	sst s0;
	s0 =	simm.s32 @!p1 $0x0  }
0x14: {  	s2 =	sld [smem:$0x3F9C];
	s0 =	simm.s32 @p1 $0x1  }
0x15: {  	[smem:$0x3FB9] =	sst s0;
	s0 =	simm.s32 @!p2 $0x0  }
0x16: {  	s3 =	sld [smem:$0x3FDB];
	s0 =	simm.s32 @p2 $0x1  }
0x17: {  	s4 =	simm.s32 $0x1BF5;
	[smem:$0x3FBB] =	sst s0  }
0x18: {  	s0 =	sld [smem:$0x3F9E];
	_ =	swait.ge [sflag:s4], $0x0  }
0x19: {  	s7 =	sld [smem:$0x3F9F]  }
0x1a: {  	s8 =	sadd.s32 $0xFFFFE003, lr  }
0x1b: {  	s9 =	sadd.s32 $0xFFFFFEF7, lr;
	s5 =	simm.s32 $0xFFFFFFFF;
	p2 =	slt.u32 s8, $0xFFFFF086  }
0x1c: {  	p1 =	slt.u32 s9, $0xF7A;
	s5 =	simm.s32 @!p2 $0x0  }
0x1d: {  	s5 =	simm.s32 @p1 $0x1;
	p0 =	seq.s32 s7, s2  }
0x1e: {  	s7 =	smul.u32 @!p0 $0xF7A, s2;
	p2 =	seq.s32 @!p0 s5, $0x0  }
0x1f: {  	s9 =	smul.u32 $0xF7A, s1;
	s8 =	simm.s32 @!p0 $0x1BF5;
	p2 =	por !p2, p0  }
0x20: {  	[sflag:s8] =	ssyncset.s32 @!p0 $0xFFFFF086;
	s6 =	sadd.s32 @!p0 s3, s7;
	s7 =	simm.s32 @!p0 $0x108  }
0x21: {  	s3 =	sadd.s32 s3, s9;
	s6 =	sadd.s32 @!p0 $0x88, s6;
	s7 =	simm.s32 @p2 $0x1082  }
0x22: {  	[simem:s7], [sflag:s8] =	dma.local @!p0 [hbm:s6], $0xF7A  }
0x23: {  	s9 =	sor.u32 $0xD0000000, s2;
	s6 =	simm.s32 $0x108;
	_ =	swait.ge @!p0 [sflag:s8], $0x0  }
0x24: {  	s3 =	sadd.s32 $0x88, s3;
	s6 =	simm.s32 @!p1 $0x1082;
	[sflag:s4] =	ssyncset.s32 $0xFFFFF086  }
0x25: {  	[simem:s6], [sflag:s4] =	dma.local [hbm:s3], $0xF7A  }
0x26: {  	[smem:$0x3F9F] =	sst s1;
	(tag) =	ssettag s2;
	_ =	strace s9  }
0x27: {  	s1 =	sld [smem:$0x3FAF]  }
0x28: {  	s2 =	sld [smem:$0x3FB0]  }
0x29: {  	s4 =	sld [smem:$0x3FB2]  }
0x2a: {  	p0 =	seq.s32 s5, $0x0;
	s5 =	sld [smem:$0x3FB3]  }
0x2b: {  	s6 =	sld [smem:$0x3FB4]  }
0x2c: {  	s7 =	sld [smem:$0x3FB5]  }
0x2d: {  	s3 =	simm.s32 $0x108;
	s8 =	sld [smem:$0x3FB6]  }
0x2e: {  	s3 =	simm.s32 @!p0 $0x1082;
	s9 =	sld [smem:$0x3FB7]  }
0x2f: {  	lr =	sadd.s32 s0, s3;
	s0 =	sld [smem:$0x3FAE]  }
0x30: {  	s3 =	sld [smem:$0x3FB1]  }
0x31: {  	[smem:$0x3FBA] =	sst s10  }
0x32: {  	s10 =	sld [smem:$0x3FB8];
	_ =	sdelay $0x3  }
0x33: {  	p0 =	seq.s32 s10, $0x1;
	s10 =	sld [smem:$0x3FBA];
	_ =	sdelay $0x3  }
0x34: {  	[smem:$0x3FBA] =	sst s10  }
0x35: {  	s10 =	sld [smem:$0x3FB9];
	_ =	sdelay $0x3  }
0x36: {  	p1 =	seq.s32 s10, $0x1;
	s10 =	sld [smem:$0x3FBA];
	_ =	sdelay $0x3  }
0x37: {  	[smem:$0x3FBA] =	sst s10  }
0x38: {  	s10 =	sld [smem:$0x3FBB]  }
0x39: {  	_ = 	snop;
	(pc) =	sbr.ind lr, $3  }
0x3a: {  	_ = 	snop  }
0x3b: {  	_ = 	snop  }
0x3c: {  	p2 =	seq.s32 s10, $0x1;
	s10 =	sld [smem:$0x3FBA]  }
0x3d: {  	_ =	shalt  }
0x3e: {  	_ =	shalt  }
0x3f: {  	_ =	shalt  }
0x40: {  	_ =	shalt  }
0x41: {  	_ =	shalt  }
0x42: {  	_ =	shalt  }
0x43: {  	_ =	shalt  }
0x44: {  	_ =	shalt  }
0x45: {  	_ =	shalt  }
0x46: {  	_ =	shalt  }
0x47: {  	_ =	shalt  }
0x48: {  	_ =	shalt  }
0x49: {  	_ =	shalt  }
0x4a: {  	_ =	shalt  }
0x4b: {  	_ =	shalt  }
0x4c: {  	_ =	shalt  }
0x4d: {  	_ =	shalt  }
0x4e: {  	_ =	shalt  }
0x4f: {  	_ =	shalt  }
0x50: {  	_ =	shalt  }
0x51: {  	_ =	shalt  }
0x52: {  	_ =	shalt  }
0x53: {  	_ =	shalt  }
0x54: {  	_ =	shalt  }
0x55: {  	_ =	shalt  }
0x56: {  	_ =	shalt  }
0x57: {  	_ =	shalt  }
0x58: {  	_ =	shalt  }
0x59: {  	_ =	shalt  }
0x5a: {  	_ =	shalt  }
0x5b: {  	_ =	shalt  }
0x5c: {  	_ =	shalt  }
0x5d: {  	_ =	shalt  }
0x5e: {  	_ =	shalt  }
0x5f: {  	_ =	shalt  }
0x60: {  	_ =	shalt  }
0x61: {  	_ =	shalt  }
0x62: {  	_ =	shalt  }
0x63: {  	_ =	shalt  }
0x64: {  	_ =	shalt  }
0x65: {  	_ =	shalt  }
0x66: {  	_ =	shalt  }
0x67: {  	_ =	shalt  }
0x68: {  	_ =	shalt  }
0x69: {  	_ =	shalt  }
0x6a: {  	_ =	shalt  }
0x6b: {  	_ =	shalt  }
0x6c: {  	_ =	shalt  }
0x6d: {  	_ =	shalt  }
0x6e: {  	_ =	shalt  }
0x6f: {  	_ =	shalt  }
0x70: {  	_ =	shalt  }
0x71: {  	_ =	shalt  }
0x72: {  	_ =	shalt  }
0x73: {  	_ =	shalt  }
0x74: {  	_ =	shalt  }
0x75: {  	_ =	shalt  }
0x76: {  	_ =	shalt  }
0x77: {  	_ =	shalt  }
0x78: {  	_ =	shalt  }
0x79: {  	_ =	shalt  }
0x7a: {  	_ =	shalt  }
0x7b: {  	_ =	shalt  }
0x7c: {  	_ =	shalt  }
0x7d: {  	_ =	shalt  }
0x7e: {  	_ =	shalt  }
0x7f: {  	_ =	shalt  }
0x80: {  	_ =	shalt  }
0x81: {  	_ =	shalt  }
0x82: {  	_ =	shalt  }
0x83: {  	_ =	shalt  }
0x84: {  	_ =	shalt  }
0x85: {  	_ =	shalt  }
0x86: {  	_ =	shalt  }
0x87: {  	_ =	shalt  }
.Lfunc_end0:
.L_simem_size_0:
called_computation_lowered:
.L_overlay_start_0:
0x88: {  	s2 =	sld [smem:$0x3FD9]  }
0x89: {  	s3 =	sld [smem:$0x3FFE];
	_ =	sdelay $0x1  }
0x8a: {  	s1 =	srdreg.scid  }
0x8b: {  	s0 =	sand.u32 $0x1, s1  }
0x8c: {  	s16 =	sshll.u32 s0, $0xA;
	s2 =	sadd.s32 s3, s2  }
0x8d: {  	s2 =	sadd.s32 s2, s16  }
0x8e: {  	[smem:$0x3FC6] =	sst s2  }
0x8f: {  	_ = 	snop  }
0x90: {  	(tm) =	ssettm $0x1  }
0x91: {  	s17 =	sld [smem:$0x3FFB];
	_ =	sdelay $0x3  }
0x92: {  	_ =	strace s17  }
0x93: {  	s2 =	sld [smem:$0x3FFC];
	_ =	sdelay $0x3  }
0x94: {  	_ =	strace s2  }
0x95: {  	s2 =	sld [smem:$0x3FFD];
	_ =	sdelay $0x3  }
0x96: {  	_ =	strace s2  }
0x97: {  	_ =	strace $0x8FFFFFFF  }
0x98: {  	s18 =	sld [smem:$0x3FDB];
	_ =	sdelay $0x1  }
0x99: {  	s19 =	simm.s32 $_scs_section_size  }
0x9a: {  	s4 =	simm.s32 $_size__tile_overlayer_lowered;
	s5 =	simm.s32 $_tile_overlayer_lowered  }
0x9b: {  	s22 =	simm.s32 $0x1BFF;
	s21 =	sshll.u32 s5, $0x1;
	s2 =	sadd.s32 s19, s18  }
0x9c: {  	s6 =	simm.s32 $0x0;
	s20 =	sshll.u32 s4, $0x1;
	s4 =	sadd.s32 s21, s2  }
0x9d: {  	[timem:s6], [sflag:s22] =	dma.local [hbm:s4], s20  }
0x9e: {  	_ =	swait.ge [sflag:s22], s20  }
0x9f: {  	s3 =	ssub.s32 $0x0, s20;
	[sflag:s22] =	ssyncset.done $0x0  }
0xa0: {  	[sflag:s22] =	ssyncadd.s32 s3;
	_ =	sdelay $0x1  }
0xa1: {  	s23 =	simm.s32 $0x1B8B  }
0xa2: {  	_ =	swait.ge [sflag:s23], $0x1  }
0xa3: {  	[sflag:s23] =	ssyncset.done $0x0  }
0xa4: {  	s25 =	simm.s32 $0x1B8E;
	s24 =	sld [smem:$0x3FFE];
	[sflag:s23] =	ssyncadd.s32 $0xFFFFFFFF  }
0xa5: {  	s26 =	simm.s32 $execute0_lowered;
	[smem:$0x3FD2] =	sst s25  }
0xa6: {  	s4 =	sshll.u32 s26, $0x1;
	_ =	strace $0x80000046;
	[dreg:$0x1] =	wrdreg $0xFFFFFFFF  }
0xa7: {  	s28 =	simm.s32 $_size_execute0_lowered;
	s2 =	sadd.s32 s2, s4;
	[dreg:$0x0] =	wrdreg $0x0  }
0xa8: {  	s4 =	sshll.u32 s28, $0x1;
	[dreg:$0x2] =	wrdreg s2  }
0xa9: {  	[dreg:$0x3] =	wrdreg s4  }
0xaa: {  	[dreg:$0x4] =	wrdreg $0xC0  }
0xab: {  	_ =	task [dreg:s6], $0x5FFFF  }
0xac: {  	[dreg:$0x1] =	wrdreg $0xFFFFFFFF  }
0xad: {  	[dreg:$0x0] =	wrdreg $0x60  }
0xae: {  	[dreg:$0x2] =	wrdreg s24  }
0xaf: {  	[dreg:$0x3] =	wrdreg $0x9  }
0xb0: {  	_ =	task.clear_ibuf [dreg:s6], $0x4FFFF;
	_ =	strace $0x90000046  }
0xb1: {  	s29 =	simm.s32 $0x9;
	_ =	strace $0x80000048  }
0xb2: {  	_ =	swait.ge [sflag:s29], $0x1  }
0xb3: {  	[sflag:s29] =	ssyncadd.s32 $0xFFFFFFFF  }
0xb4: {  	_ =	strace $0x90000048  }
0xb5: {  	_ =	sfence  }
0xb6: {  	s30 =	sld [smem:$0x0];
	_ =	sdelay $0x2  }
0xb7: {  	s31 =	sshll.u32 s1, $0xD;
	s1 =	sshrl.u32 s1, $0x2  }
0xb8: {  	s3 =	sand.u32 $0x4000, s31;
	s1 =	sadd.s32 s1, s30  }
0xb9: {  	s0 =	sor.u32 s3, s0;
	s1 =	sshll.u32 s1, $0x11  }
0xba: {  	s0 =	sor.u32 s1, s0  }
0xbb: {  	s0 =	sadd.s32 $0x8F2B, s0  }
0xbc: {  	[sflag:s0] =	ssyncadd.remote.s32 $0x1  }
0xbd: {  	_ =	sfence.sel $0xFFFF  }
0xbe: {  	[dreg:$0x0] =	wrdreg $0xFFFFFFFF;
	(pc) =	sbr.abs _section_cstart, $3  }
0xbf: {  	[dreg:$0x1] =	wrdreg $0xFFFFFFFF  }
0xc0: {  	_ =	task.clear_ibuf [dreg:s6], $0x2FFFF;
	_ =	strace $0x9FFFFFFF  }
0xc1: {  	(tm) =	ssettm $0x7FFFFFFF  }
tec
execute0_lowered:
.L_overlay_start_1:
0x0: {  	(tag) =	ssettag $0x1  }
0x1: {  	s3 =	rddreg [dreg:$0x0]  }
0x2: {  	s0 =	rddreg [dreg:$0x1]  }
0x3: {  	s2 =	simm.s32 $0x0;
	s4 =	srdreg.scid;
	s1 =	stileid.u32  }
0x4: {  	s11 =	simm.s32 $0x1000;
	s12 =	simm.s32 $0x3000;
	s13 =	simm.s32 $0x1  }
0x5: {  	s14 =	simm.s32 $0x4000;
	s15 =	simm.s32 $0x2;
	s16 =	simm.s32 $0x3  }
0x6: {  	s17 =	simm.s32 $0x5000;
	s18 =	simm.s32 $0x4;
	s19 =	simm.s32 $0x0  }
0x7: {  	[smem:$0x7FF] =	sst s2;
	s4 =	sand.u32 $0x1, s4;
	s5 =	sshll.u32 s1, $0xB  }
0x8: {  	s7 =	sadd.s32 $0x800, s3;
	s6 =	sshll.u32 s4, $0xA;
	s4 =	ssub.s32 $0x2, s4  }
0x9: {  	s8 =	sadd.s32 $0x8800, s3;
	s5 =	sor.u32 s6, s5;
	s30 =	sshrl.u32 s4, $0x1  }
0xa: {  	_ =	strace $0x80000047;
	s9 =	sadd.s32 s5, s3;
	s10 =	ssub.s32 s4, s30  }
0xb: {  	s3 =	sadd.s32 s7, s5;
	s4 =	sadd.s32 s8, s5;
	s31 =	sor.u32 $0x200, s5  }
0xc: {  	s5 =	sadd.s32 s7, s31;
	s6 =	sadd.s32 s8, s31;
	s7 =	sadd.s32 $0x10800, s9  }
0xd: {  	s8 =	sadd.s32 $0x10A00, s9;
	s9 =	smax.u32 s10, $0x1;
	s10 =	simm.s32 $0x2000  }
.LBB2_1:
0xe: {  	[tilespmem:s2], [sflag:$0x1] =	stream.linear.gather [hbm4b:s3+s2], $0x1000, $0x38;
	[tilespmem:$0x6000] =	vst v63  }
0xf: {  	_ = 	snop  }
0x10: {  	[tilespmem:s10], [sflag:$0x1] =	stream.linear.gather [hbm4b:s4+s2], $0x1000, $0x38;
	[tilespmem:$0x6000] =	vst v63  }
0x11: {  	_ = 	snop  }
0x12: {  	[tilespmem:s11], [sflag:$0x2] =	stream.linear.gather [hbm4b:s5+s2], $0x1000, $0x38;
	[tilespmem:$0x6000] =	vst v63  }
0x13: {  	_ = 	snop  }
0x14: {  	[tilespmem:s12], [sflag:$0x2] =	stream.linear.gather [hbm4b:s6+s2], $0x1000, $0x38;
	[tilespmem:$0x6000] =	vst v63  }
0x15: {  	_ =	swait.ge [sflag:s13], $0x1000  }
0x16: {  	[sflag:s13] =	ssyncset.done $0x0  }
0x17: {  	[sflag:s13] =	ssyncadd.s32 $0xFFFFF000  }
0x18: {  	_ =	swait.ge [sflag:s13], $0x1000  }
0x19: {  	[sflag:s13] =	ssyncset.done $0x0  }
0x1a: {  	s20 =	simm.s32 $0x0;
	s21 =	simm.s32 $0x0;
	[sflag:s13] =	ssyncadd.s32 $0xFFFFF000  }
.LBB2_2:
0x1b: {  	s22 =	sand.u32 $0x800, s21;
	s23 =	sand.u32 $0x380, s20  }
0x1c: {  	s22 =	sor.u32 s23, s22  }
0x1d: {  	v0 =	vld [tilespmem:s22+$0x2000]  }
0x1e: {  	v1 =	vmov s21  }
0x1f: {  	v1 =	vadd.s32 $0xFFFFFFFF, v1  }
0x20: {  	v1 =	vbroadcast v1, $0x0;
	_ =	sdelay $0x1  }
0x21: {  	v2 =	vld [tilespmem:s22+$0x0];
	v0 =	vadd.s32 v0, v1;
	_ =	sdelay $0x4  }
0x22: {  	[tilespmem:v0+s14+$0x0] =	vst.idx.msk $0xffff, v2  }
0x23: {  	v0 =	vld [tilespmem:s22+$0x2010];
	_ =	sdelay $0x4  }
0x24: {  	v2 =	vld [tilespmem:s22+$0x10];
	v0 =	vadd.s32 v0, v1;
	_ =	sdelay $0x4  }
0x25: {  	[tilespmem:v0+s14+$0x0] =	vst.idx.msk $0xffff, v2  }
0x26: {  	v0 =	vld [tilespmem:s22+$0x2020];
	_ =	sdelay $0x4  }
0x27: {  	v2 =	vld [tilespmem:s22+$0x20];
	v0 =	vadd.s32 v0, v1;
	_ =	sdelay $0x4  }
0x28: {  	[tilespmem:v0+s14+$0x0] =	vst.idx.msk $0xffff, v2  }
0x29: {  	v0 =	vld [tilespmem:s22+$0x2030];
	_ =	sdelay $0x4  }
0x2a: {  	v2 =	vld [tilespmem:s22+$0x30];
	v0 =	vadd.s32 v0, v1;
	_ =	sdelay $0x4  }
0x2b: {  	[tilespmem:v0+s14+$0x0] =	vst.idx.msk $0xffff, v2  }
0x2c: {  	v0 =	vld [tilespmem:s22+$0x2040];
	_ =	sdelay $0x4  }
0x2d: {  	v2 =	vld [tilespmem:s22+$0x40];
	v0 =	vadd.s32 v0, v1;
	_ =	sdelay $0x4  }
0x2e: {  	[tilespmem:v0+s14+$0x0] =	vst.idx.msk $0xffff, v2  }
0x2f: {  	v0 =	vld [tilespmem:s22+$0x2050];
	_ =	sdelay $0x4  }
0x30: {  	v2 =	vld [tilespmem:s22+$0x50];
	v0 =	vadd.s32 v0, v1;
	_ =	sdelay $0x4  }
0x31: {  	[tilespmem:v0+s14+$0x0] =	vst.idx.msk $0xffff, v2  }
0x32: {  	v0 =	vld [tilespmem:s22+$0x2060];
	_ =	sdelay $0x4  }
0x33: {  	v2 =	vld [tilespmem:s22+$0x60];
	v0 =	vadd.s32 v0, v1;
	_ =	sdelay $0x4  }
0x34: {  	[tilespmem:v0+s14+$0x0] =	vst.idx.msk $0xffff, v2  }
0x35: {  	v0 =	vld [tilespmem:s22+$0x2070];
	_ =	sdelay $0x4  }
0x36: {  	v2 =	vld [tilespmem:s22+$0x70];
	v0 =	vadd.s32 v0, v1;
	_ =	sdelay $0x4  }
0x37: {  	[tilespmem:v0+s14+$0x0] =	vst.idx.msk $0xffff, v2  }
0x38: {  	v0 =	vld [tilespmem:s22+$0x2400];
	_ =	sdelay $0x4  }
0x39: {  	v2 =	vld [tilespmem:s22+$0x400];
	v0 =	vadd.s32 v0, v1;
	_ =	sdelay $0x4  }
0x3a: {  	[tilespmem:v0+s14+$0x0] =	vst.idx.msk $0xffff, v2  }
0x3b: {  	v0 =	vld [tilespmem:s22+$0x2410];
	_ =	sdelay $0x4  }
0x3c: {  	v2 =	vld [tilespmem:s22+$0x410];
	v0 =	vadd.s32 v0, v1;
	_ =	sdelay $0x4  }
0x3d: {  	[tilespmem:v0+s14+$0x0] =	vst.idx.msk $0xffff, v2  }
0x3e: {  	v0 =	vld [tilespmem:s22+$0x2420];
	_ =	sdelay $0x4  }
0x3f: {  	v2 =	vld [tilespmem:s22+$0x420];
	v0 =	vadd.s32 v0, v1;
	_ =	sdelay $0x4  }
0x40: {  	[tilespmem:v0+s14+$0x0] =	vst.idx.msk $0xffff, v2  }
0x41: {  	v0 =	vld [tilespmem:s22+$0x2430];
	_ =	sdelay $0x4  }
0x42: {  	v2 =	vld [tilespmem:s22+$0x430];
	v0 =	vadd.s32 v0, v1;
	_ =	sdelay $0x4  }
0x43: {  	[tilespmem:v0+s14+$0x0] =	vst.idx.msk $0xffff, v2  }
0x44: {  	v0 =	vld [tilespmem:s22+$0x2438];
	_ =	sdelay $0x4  }
0x45: {  	p0 =	sne.s32 s21, $0xF00;
	v2 =	vld [tilespmem:s22+$0x438];
	v0 =	vadd.s32 v0, v1  }
.Ltmp0:
0x46: {  	_ = 	snop;
	(pc) =	sbr.rel @p0 .LBB2_2-.Ltmp0, $2  }
0x47: {  	_ =	sdelay $0x2  }
0x48: {  	s20 =	sadd.s32 $0x80, s20;
	s21 =	sadd.s32 $0x100, s21;
	[tilespmem:v0+s14+$0x0] =	vst.idx.msk $0xffff, v2  }
0x49: {  	[hbm4b:s7+s2] =	stream.linear.scatter [tilespmem:s14], [sflag:$0x3], $0x1000, $0x38;
	[tilespmem:$0x6000] =	vst v63  }
0x4a: {  	_ =	swait.ge [sflag:s15], $0x1000  }
0x4b: {  	[sflag:s15] =	ssyncset.done $0x0  }
0x4c: {  	[sflag:s15] =	ssyncadd.s32 $0xFFFFF000  }
0x4d: {  	_ =	swait.ge [sflag:s15], $0x1000  }
0x4e: {  	[sflag:s15] =	ssyncset.done $0x0  }
0x4f: {  	s20 =	simm.s32 $0x1000;
	s21 =	simm.s32 $0x800;
	[sflag:s15] =	ssyncadd.s32 $0xFFFFF000  }
.LBB2_4:
0x50: {  	s22 =	sand.u32 $0x1800, s20;
	s23 =	sand.u32 $0x380, s21  }
0x51: {  	s22 =	sor.u32 s23, s22  }
0x52: {  	v0 =	vld [tilespmem:s22+$0x2000]  }
0x53: {  	v1 =	vmov s20  }
0x54: {  	v1 =	vadd.s32 $0xFFFFFFFF, v1  }
0x55: {  	v1 =	vbroadcast v1, $0x0;
	_ =	sdelay $0x1  }
0x56: {  	v2 =	vld [tilespmem:s22+$0x0];
	v0 =	vadd.s32 v0, v1;
	_ =	sdelay $0x4  }
0x57: {  	[tilespmem:v0+s14+$0x0] =	vst.idx.msk $0xffff, v2  }
0x58: {  	v0 =	vld [tilespmem:s22+$0x2010];
	_ =	sdelay $0x4  }
0x59: {  	v2 =	vld [tilespmem:s22+$0x10];
	v0 =	vadd.s32 v0, v1;
	_ =	sdelay $0x4  }
0x5a: {  	[tilespmem:v0+s14+$0x0] =	vst.idx.msk $0xffff, v2  }
0x5b: {  	v0 =	vld [tilespmem:s22+$0x2020];
	_ =	sdelay $0x4  }
0x5c: {  	v2 =	vld [tilespmem:s22+$0x20];
	v0 =	vadd.s32 v0, v1;
	_ =	sdelay $0x4  }
0x5d: {  	[tilespmem:v0+s14+$0x0] =	vst.idx.msk $0xffff, v2  }
0x5e: {  	v0 =	vld [tilespmem:s22+$0x2030];
	_ =	sdelay $0x4  }
0x5f: {  	v2 =	vld [tilespmem:s22+$0x30];
	v0 =	vadd.s32 v0, v1;
	_ =	sdelay $0x4  }
0x60: {  	[tilespmem:v0+s14+$0x0] =	vst.idx.msk $0xffff, v2  }
0x61: {  	v0 =	vld [tilespmem:s22+$0x2040];
	_ =	sdelay $0x4  }
0x62: {  	v2 =	vld [tilespmem:s22+$0x40];
	v0 =	vadd.s32 v0, v1;
	_ =	sdelay $0x4  }
0x63: {  	[tilespmem:v0+s14+$0x0] =	vst.idx.msk $0xffff, v2  }
0x64: {  	v0 =	vld [tilespmem:s22+$0x2050];
	_ =	sdelay $0x4  }
0x65: {  	v2 =	vld [tilespmem:s22+$0x50];
	v0 =	vadd.s32 v0, v1;
	_ =	sdelay $0x4  }
0x66: {  	[tilespmem:v0+s14+$0x0] =	vst.idx.msk $0xffff, v2  }
0x67: {  	v0 =	vld [tilespmem:s22+$0x2060];
	_ =	sdelay $0x4  }
0x68: {  	v2 =	vld [tilespmem:s22+$0x60];
	v0 =	vadd.s32 v0, v1;
	_ =	sdelay $0x4  }
0x69: {  	[tilespmem:v0+s14+$0x0] =	vst.idx.msk $0xffff, v2  }
0x6a: {  	v0 =	vld [tilespmem:s22+$0x2070];
	_ =	sdelay $0x4  }
0x6b: {  	v2 =	vld [tilespmem:s22+$0x70];
	v0 =	vadd.s32 v0, v1;
	_ =	sdelay $0x4  }
0x6c: {  	[tilespmem:v0+s14+$0x0] =	vst.idx.msk $0xffff, v2  }
0x6d: {  	v0 =	vld [tilespmem:s22+$0x2400];
	_ =	sdelay $0x4  }
0x6e: {  	v2 =	vld [tilespmem:s22+$0x400];
	v0 =	vadd.s32 v0, v1;
	_ =	sdelay $0x4  }
0x6f: {  	[tilespmem:v0+s14+$0x0] =	vst.idx.msk $0xffff, v2  }
0x70: {  	v0 =	vld [tilespmem:s22+$0x2410];
	_ =	sdelay $0x4  }
0x71: {  	v2 =	vld [tilespmem:s22+$0x410];
	v0 =	vadd.s32 v0, v1;
	_ =	sdelay $0x4  }
0x72: {  	[tilespmem:v0+s14+$0x0] =	vst.idx.msk $0xffff, v2  }
0x73: {  	v0 =	vld [tilespmem:s22+$0x2420];
	_ =	sdelay $0x4  }
0x74: {  	v2 =	vld [tilespmem:s22+$0x420];
	v0 =	vadd.s32 v0, v1;
	_ =	sdelay $0x4  }
0x75: {  	[tilespmem:v0+s14+$0x0] =	vst.idx.msk $0xffff, v2  }
0x76: {  	v0 =	vld [tilespmem:s22+$0x2430];
	_ =	sdelay $0x4  }
0x77: {  	v2 =	vld [tilespmem:s22+$0x430];
	v0 =	vadd.s32 v0, v1;
	_ =	sdelay $0x4  }
0x78: {  	[tilespmem:v0+s14+$0x0] =	vst.idx.msk $0xffff, v2  }
0x79: {  	v0 =	vld [tilespmem:s22+$0x2438];
	_ =	sdelay $0x4  }
0x7a: {  	p0 =	sne.s32 s20, $0x1F00;
	v2 =	vld [tilespmem:s22+$0x438];
	v0 =	vadd.s32 v0, v1  }
.Ltmp1:
0x7b: {  	_ = 	snop;
	(pc) =	sbr.rel @p0 .LBB2_4-.Ltmp1, $2  }
0x7c: {  	_ =	sdelay $0x2  }
0x7d: {  	s21 =	sadd.s32 $0x80, s21;
	s20 =	sadd.s32 $0x100, s20;
	[tilespmem:v0+s14+$0x0] =	vst.idx.msk $0xffff, v2  }
0x7e: {  	_ =	swait.ge [sflag:s16], $0x1000;
	s19 =	sadd.s32 $0x1, s19  }
0x7f: {  	[sflag:s16] =	ssyncset.done $0x0;
	p0 =	sne.s32 s19, s9  }
.Ltmp2:
0x80: {  	[sflag:s16] =	ssyncadd.s32 $0xFFFFF000;
	(pc) =	sbr.rel @p0 .LBB2_1-.Ltmp2, $4  }
0x81: {  	[hbm4b:s8+s2] =	stream.linear.scatter [tilespmem:s17], [sflag:$0x4], $0x1000, $0x38;
	[tilespmem:$0x6000] =	vst v63  }
0x82: {  	_ =	swait.ge [sflag:s18], $0x1000  }
0x83: {  	[sflag:s18] =	ssyncset.done $0x0  }
0x84: {  	[sflag:s18] =	ssyncadd.s32 $0xFFFFF000  }
0x85: {  	_ =	sfence.sel $0x180000  }
0x86: {  	[bflag:$0x0] =	sbarrier.arrive $0xFFFF  }
0x87: {  	p0 =	sne.s32 s1, $0x0;
	_ =	strace $0x90000047  }
0x88: {  	s0 =	sadd.s32 @!p0 $0x100000, s0;
	[bflag:$0x2] =	sbarrier.arrive $0xFFFF  }
0x89: {  	[sflag:s0] =	ssyncadd.tile.s32 @!p0 $0x1;
	_ =	shalt  }
.Lfunc_end2:
_tile_overlayer_lowered:
.L_overlay_start_2:
0x8a: {  	(tag) =	ssettag $0x2  }
0x8b: {  	s0 =	rddreg [dreg:$0x0];
	s2 =	stileid.u32  }
0x8c: {  	s1 =	rddreg [dreg:$0x1];
	p0 =	sne.s32 s2, $0x0  }
0x8d: {  	s3 =	rddreg [dreg:$0x2];
	[bflag:$0x3] =	sbarrier.arrive $0xFFFF;
	s2 =	simm.s32 @!p0 $0x1C04  }
0x8e: {  	[timem:s3], [sflag:s2] =	dma.local @!p0 [hbm:s0], s1  }
0x8f: {  	s0 =	simm.s32 @!p0 $0x4  }
0x90: {  	_ =	swait.ge @!p0 [sflag:s0], s1  }
0x91: {  	s1 =	ssub.s32 @!p0 $0x0, s1;
	[sflag:s0] =	ssyncset.done @!p0 $0x0  }
0x92: {  	[sflag:s0] =	ssyncadd.s32 @!p0 s1  }
0x93: {  	[bflag:$0x3] =	sbarrier.arrive $0xFFFF  }
0x94: {  	_ =	shalt  }

</sc_bundles>
